<compile_context>
chip_gen: v7x
topology: tpu7x:2x2x1
jax: 0.10.2.dev20260603
libtpu: 0.0.44.dev20260713+nightly
codegen_flags: <defaults>
</compile_context>

<pallas_src>
import functools

import jax
import jax.numpy as jnp
from jax import lax
from jax.experimental import pallas as pl
from jax.experimental.pallas import tpu as pltpu
from jax.experimental.pallas import tpu_sc as plsc

HEAD_DIM = 128
R_SEL = 0.25
CHUNK = 256
SC_CORES = 2
SC_SUBCORES = 16
SC_WORKERS = SC_CORES * SC_SUBCORES
ROWS_PER_DMA = 16


def _excl_cumsum_row(row, T):
    L = 128
    R = T // L
    x2 = row.reshape(R, L)
    li = lax.broadcasted_iota(jnp.int32, (L, L), 0)
    lj = lax.broadcasted_iota(jnp.int32, (L, L), 1)
    up = (li < lj).astype(jnp.float32)
    ex_in = lax.dot_general(x2, up, (((1,), (0,)), ((), ())),
                            preferred_element_type=jnp.float32)
    rowsum = jnp.sum(x2, axis=1, keepdims=True)
    ri = lax.broadcasted_iota(jnp.int32, (R, R), 0)
    rj = lax.broadcasted_iota(jnp.int32, (R, R), 1)
    lowm = (rj < ri).astype(jnp.float32)
    pre = lax.dot_general(lowm, rowsum, (((1,), (0,)), ((), ())),
                          preferred_element_type=jnp.float32)
    return (ex_in + pre).reshape(1, T)


def _fused_body(num_sel, out_len, t2, H, q_ref, k_ref, srca_ref, dsta_ref,
                srcb_ref, dstb_ref, imp_ref):
    b = pl.program_id(0)
    h = pl.program_id(1)

    @pl.when(h < H)
    def _accumulate():
        q = q_ref[0, 0]
        k = k_ref[0, 0]
        s = lax.dot_general(
            q, k, (((1,), (1,)), ((), ())),
            preferred_element_type=jnp.float32,
        )
        e = jnp.exp(s * (HEAD_DIM ** -0.5))
        d = jnp.sum(e, axis=1, keepdims=True)
        contrib = jnp.sum(e * (1.0 / d), axis=0)[None, :]

        @pl.when(h == 0)
        def _init():
            imp_ref[...] = contrib

        @pl.when(h != 0)
        def _acc():
            imp_ref[...] = imp_ref[...] + contrib

    @pl.when(h == H)
    def _select():
        T = imp_ref.shape[1]
        num_unsel = T - num_sel
        v_row = imp_ref[...]
        t_row = lax.broadcasted_iota(jnp.int32, (1, T), 1).astype(jnp.float32)
        key = lax.bitcast_convert_type(v_row, jnp.int32)

        def srch(i, prefix):
            cand = prefix | lax.shift_left(jnp.int32(1), 30 - i)
            cnt = jnp.sum((key >= cand).astype(jnp.int32))
            return jnp.where(cnt >= num_sel, cand, prefix)

        thr = lax.fori_loop(0, 31, srch, jnp.int32(0))
        gt = (key > thr).astype(jnp.float32)
        tie = (key == thr).astype(jnp.float32)
        need = num_sel - jnp.sum(gt)
        tie_ex = _excl_cumsum_row(tie, T)
        maskf = gt + tie * (tie_ex < need).astype(jnp.float32)
        nsel_ex = _excl_cumsum_row(maskf, T)
        pos_row = t_row + nsel_ex
        ybase = (b * out_len).astype(jnp.float32)

        js_col = lax.broadcasted_iota(
            jnp.int32, (num_sel, 1), 0).astype(jnp.float32)
        ohs = maskf * (nsel_ex == js_col).astype(jnp.float32)
        sel_src = jnp.sum(ohs * t_row, axis=1, keepdims=True)
        sel_dst = jnp.sum(ohs * pos_row, axis=1, keepdims=True)
        ju_col = lax.broadcasted_iota(
            jnp.int32, (num_unsel, 1), 0).astype(jnp.float32)
        ohu = (1.0 - maskf) * ((t_row - nsel_ex) == ju_col).astype(
            jnp.float32)
        uns_src = jnp.sum(ohu * t_row, axis=1, keepdims=True)
        uns_dst = jnp.sum(ohu * (pos_row + ybase), axis=1, keepdims=True)

        srca_ref[0] = (uns_src + b * T).astype(jnp.int32)
        dsta_ref[0] = uns_dst.astype(jnp.int32)
        src0 = (2.0 * sel_src + b * t2)
        dst0 = sel_dst + ybase
        srcb_ref[0, :num_sel, :] = src0.astype(jnp.int32)
        srcb_ref[0, num_sel:, :] = (src0 + 1.0).astype(jnp.int32)
        dstb_ref[0, :num_sel, :] = dst0.astype(jnp.int32)
        dstb_ref[0, num_sel:, :] = (dst0 + 1.0).astype(jnp.int32)


def _make_sc_interleave(B, T, C, num_sel, out_len):
    num_unsel = T - num_sel
    a_rows = B * num_unsel // SC_WORKERS
    b_rows = 2 * B * num_sel // SC_WORKERS
    nca = a_rows // ROWS_PER_DMA
    ncb = b_rows // ROWS_PER_DMA
    mesh = plsc.VectorSubcoreMesh(core_axis_name="c", subcore_axis_name="s")

    @functools.partial(
        pl.kernel,
        mesh=mesh,
        out_type=jax.ShapeDtypeStruct((B * out_len, C), jnp.float32),
        scratch_types=[
            pltpu.VMEM((nca, ROWS_PER_DMA), jnp.int32),
            pltpu.VMEM((nca, ROWS_PER_DMA), jnp.int32),
            pltpu.VMEM((ncb, ROWS_PER_DMA), jnp.int32),
            pltpu.VMEM((ncb, ROWS_PER_DMA), jnp.int32),
            pltpu.VMEM((ROWS_PER_DMA, C), jnp.float32),
            pltpu.VMEM((ROWS_PER_DMA, C), jnp.float32),
            pltpu.VMEM((ROWS_PER_DMA, C), jnp.float32),
            pltpu.SemaphoreType.DMA,
            pltpu.SemaphoreType.DMA,
            pltpu.SemaphoreType.DMA,
            pltpu.SemaphoreType.DMA,
            pltpu.SemaphoreType.DMA,
            pltpu.SemaphoreType.DMA,
            pltpu.SemaphoreType.DMA,
        ],
    )
    def sc_fn(xmc, xm, srca, dsta, srcb, dstb, y,
              sia, dia, sib, dib, rows0, rows1, rows2,
              gsem0, gsem1, gsem2, ssem0, ssem1, ssem2, isem):
        wid = lax.axis_index("s") * SC_CORES + lax.axis_index("c")
        ph = [
            pltpu.async_copy(srca.at[wid], sia, isem),
            pltpu.async_copy(dsta.at[wid], dia, isem),
            pltpu.async_copy(srcb.at[wid], sib, isem),
            pltpu.async_copy(dstb.at[wid], dib, isem),
        ]
        for h in ph:
            h.wait()
        work = [(xmc, sia, dia, j) for j in range(nca)]
        work += [(xm, sib, dib, j) for j in range(ncb)]
        bufs = [(rows0, gsem0, ssem0), (rows1, gsem1, ssem1),
                (rows2, gsem2, ssem2)]
        n = len(work)
        nb = len(bufs)
        ghandles = [None] * n
        shandles = [None] * n

        def issue_gather(i):
            src, si, _, j = work[i]
            rows, gsem, _ = bufs[i % nb]
            ghandles[i] = pltpu.async_copy(src.at[si.at[j]], rows, gsem)

        issue_gather(0)
        for i in range(n):
            rows, _, ssem = bufs[i % nb]
            if i + 1 < n:
                if i + 1 >= nb:
                    shandles[i + 1 - nb].wait()
                issue_gather(i + 1)
            ghandles[i].wait()
            _, _, di, j = work[i]
            shandles[i] = pltpu.async_copy(rows, y.at[di.at[j]], ssem)
        for i in range(max(0, n - nb), n):
            shandles[i].wait()

    return sc_fn


def kernel(x_m, xm_cmp, q_w, km_cmp):
    B, T, C = xm_cmp.shape
    H = q_w.shape[1]
    KV = km_cmp.shape[1]
    groups = H // KV
    Tq = q_w.shape[2]
    D = q_w.shape[3]
    num_sel = int(R_SEL * T)
    num_unsel = T - num_sel
    out_len = T + num_sel

    q_g = q_w.reshape(B, KV, groups * Tq, D)
    srca, dsta, srcb, dstb = pl.pallas_call(
        functools.partial(_fused_body, num_sel, out_len, 2 * T, KV),
        grid=(B, KV + 1),
        in_specs=[
            pl.BlockSpec((1, 1, groups * Tq, D),
                         lambda b, h: (b, jnp.minimum(h, KV - 1), 0, 0)),
            pl.BlockSpec((1, 1, T, D),
                         lambda b, h: (b, jnp.minimum(h, KV - 1), 0, 0)),
        ],
        out_specs=[
            pl.BlockSpec((1, num_unsel, 1), lambda b, h: (b, 0, 0)),
            pl.BlockSpec((1, num_unsel, 1), lambda b, h: (b, 0, 0)),
            pl.BlockSpec((1, 2 * num_sel, 1), lambda b, h: (b, 0, 0)),
            pl.BlockSpec((1, 2 * num_sel, 1), lambda b, h: (b, 0, 0)),
        ],
        out_shape=[
            jax.ShapeDtypeStruct((B, num_unsel, 1), jnp.int32),
            jax.ShapeDtypeStruct((B, num_unsel, 1), jnp.int32),
            jax.ShapeDtypeStruct((B, 2 * num_sel, 1), jnp.int32),
            jax.ShapeDtypeStruct((B, 2 * num_sel, 1), jnp.int32),
        ],
        scratch_shapes=[pltpu.VMEM((1, T), jnp.float32)],
        compiler_params=pltpu.CompilerParams(
            dimension_semantics=("parallel", "arbitrary")),
    )(q_g, km_cmp)

    sc_fn = _make_sc_interleave(B, T, C, num_sel, out_len)
    y = sc_fn(
        xm_cmp.reshape(B * T, C),
        x_m.reshape(B * 2 * T, C),
        srca.reshape(SC_WORKERS, -1, ROWS_PER_DMA),
        dsta.reshape(SC_WORKERS, -1, ROWS_PER_DMA),
        srcb.reshape(SC_WORKERS, -1, ROWS_PER_DMA),
        dstb.reshape(SC_WORKERS, -1, ROWS_PER_DMA),
    )
    return y.reshape(B, out_len, C)

# --- scband reference (transcript-rebuilt; emitter-appended) ---
"""Pipeline reference for scband-compressed-attention-88433376624960 (READ-ONLY COPY).

The authoritative reference and input builder live on the scoring server;
editing this copy changes nothing except your own understanding.
"""

import jax, jax.numpy as jnp
import numpy as np

HEAD_DIM = 128
NUM_HEADS = 16
NUM_KV_HEADS = 8
GROUPS = NUM_HEADS // NUM_KV_HEADS
R = 0.25
M_SEL = 0


def setup_inputs(seed: int = 0) -> dict:
    key = jax.random.key(seed)
    k1, k2, k3, k4 = jax.random.split(key, 4)
    x_m = jax.random.normal(k1, (2, 4096, 2048), dtype=jnp.float32)
    xm_cmp = jax.random.normal(k2, (2, 2048, 2048), dtype=jnp.float32)
    q_w = jax.random.normal(k3, (2, 16, 512, 128), dtype=jnp.float32)
    km_cmp = jax.random.normal(k4, (2, 8, 2048, 128), dtype=jnp.float32)
    return {"x_m": x_m, "xm_cmp": xm_cmp, "q_w": q_w, "km_cmp": km_cmp}


def reference(x_m, xm_cmp, q_w, km_cmp):
    B, T_cmp, C = xm_cmp.shape
    scaling = HEAD_DIM ** (-0.5)
    # GQA expand: unsqueeze(2).expand(...).reshape -> interleaved repeat along head dim
    km = jnp.repeat(km_cmp, GROUPS, axis=1)  # (B, NUM_HEADS, T_cmp, HEAD_DIM)
    # importance_score(): attention of window queries over compressed memory keys
    scores = jnp.einsum('bhqd,bhkd->bhqk', q_w, km) * scaling
    weights = jax.nn.softmax(scores, axis=-1)
    cumulative_attention = weights.sum(axis=2)        # (B, H, T_cmp)
    importance = cumulative_attention.mean(axis=1)    # (B, T_cmp)
    # select_indices
    num_sel = int(R * T_cmp + M_SEL * (1 - R) / 2)
    num_sel = min(num_sel, T_cmp)
    _, sel = jax.lax.top_k(importance, num_sel)       # (B, num_sel)
    # interleave_selected
    b_idx = jnp.arange(B)[:, None]
    expand_mask = jnp.zeros((B, T_cmp), dtype=bool).at[b_idx, sel].set(True)
    sizes = jnp.where(expand_mask, 2, 1)
    cum_positions = jnp.cumsum(sizes, axis=1)
    start_positions = cum_positions - sizes           # (B, T_cmp)
    out_len = T_cmp + num_sel
    starts_all = x_m[:, 0:2 * T_cmp:2, :]             # (B, T_cmp, C) pair starts
    ends_all = x_m[:, 1:2 * T_cmp:2, :]               # (B, T_cmp, C) pair ends
    first_tok = jnp.where(expand_mask[..., None], starts_all, xm_cmp)
    bfull = jnp.broadcast_to(b_idx, (B, T_cmp))
    y = jnp.zeros((B, out_len + 1, C), dtype=xm_cmp.dtype)
    y = y.at[bfull, start_positions].set(first_tok)
    # second slot of each expanded pair; non-expanded tokens write to a junk slot (out_len)
    second_pos = jnp.where(expand_mask, start_positions + 1, out_len)
    y = y.at[bfull, second_pos].set(ends_all)
    return y[:, :out_len]

if __name__ == "__main__":
    import jax
    _d = setup_inputs()
    print(jax.jit(kernel)(*tuple(_d.values())))

</pallas_src>

<mosaic_0001>
#map = affine_map<(d0, d1) -> (0, 0)>
#map1 = affine_map<(d0, d1) -> (0, 0, 0)>
module attributes {stable_mosaic.version = 14 : i64} {
  func.func @sc_fn(%arg0: i32, %arg1: i32, %arg2: memref<4096x2048xf32, #tpu.memory_space<hbm>>, %arg3: memref<8192x2048xf32, #tpu.memory_space<hbm>>, %arg4: memref<32x6x16xi32, #tpu.memory_space<hbm>>, %arg5: memref<32x6x16xi32, #tpu.memory_space<hbm>>, %arg6: memref<32x4x16xi32, #tpu.memory_space<hbm>>, %arg7: memref<32x4x16xi32, #tpu.memory_space<hbm>>, %arg8: memref<5120x2048xf32, #tpu.memory_space<hbm>>, %arg9: memref<6x16xi32, #tpu.memory_space<vmem>>, %arg10: memref<6x16xi32, #tpu.memory_space<vmem>>, %arg11: memref<4x16xi32, #tpu.memory_space<vmem>>, %arg12: memref<4x16xi32, #tpu.memory_space<vmem>>, %arg13: memref<16x2048xf32, #tpu.memory_space<vmem>>, %arg14: memref<16x2048xf32, #tpu.memory_space<vmem>>, %arg15: memref<16x2048xf32, #tpu.memory_space<vmem>>, %arg16: memref<!tpu.dma_semaphore, #tpu.memory_space<semaphore_mem>>, %arg17: memref<!tpu.dma_semaphore, #tpu.memory_space<semaphore_mem>>, %arg18: memref<!tpu.dma_semaphore, #tpu.memory_space<semaphore_mem>>, %arg19: memref<!tpu.dma_semaphore, #tpu.memory_space<semaphore_mem>>, %arg20: memref<!tpu.dma_semaphore, #tpu.memory_space<semaphore_mem>>, %arg21: memref<!tpu.dma_semaphore, #tpu.memory_space<semaphore_mem>>, %arg22: memref<!tpu.dma_semaphore, #tpu.memory_space<semaphore_mem>>) attributes {dimension_semantics = [#tpu.dimension_semantics<core_parallel>, #tpu.dimension_semantics<subcore_parallel>], iteration_bounds = array<i64: 2, 16>, scalar_prefetch = 0 : i64, scratch_operands = 14 : i64, tpu.core_type = #tpu.core_type<sc_vector_subcore>, window_params = [{transform_indices = #map}, {transform_indices = #map}, {transform_indices = #map1}, {transform_indices = #map1}, {transform_indices = #map1}, {transform_indices = #map1}, {transform_indices = #map}]} {
    %mul3A = arith.constant 2 : i32
    %mul3A_0 = arith.muli %arg1, %mul3A : i32
    %add3A = arith.addi %mul3A_0, %arg0 : i32
    %dma_start3A = arith.constant 0 : i32
    %dma_start3A_1 = arith.constant 0 : i32
    %dma_start3A_2 = tpu.memref_slice %arg4[%add3A, %dma_start3A, %dma_start3A_1] : memref<32x6x16xi32, #tpu.memory_space<hbm>> -> memref<1x6x16xi32, #tpu.memory_space<hbm>>
    %dma_start3A_3 = tpu.memref_squeeze %dma_start3A_2 : memref<1x6x16xi32, #tpu.memory_space<hbm>> -> memref<6x16xi32, #tpu.memory_space<hbm>>
    %dma_start3A_4 = arith.constant 0 : i32
    %dma_start3A_5 = arith.constant 0 : i32
    %dma_start3A_6 = tpu.memref_slice %arg4[%add3A, %dma_start3A_4, %dma_start3A_5] : memref<32x6x16xi32, #tpu.memory_space<hbm>> -> memref<1x6x16xi32, #tpu.memory_space<hbm>>
    %dma_start3A_7 = tpu.memref_squeeze %dma_start3A_6 : memref<1x6x16xi32, #tpu.memory_space<hbm>> -> memref<6x16xi32, #tpu.memory_space<hbm>>
    tpu.enqueue_dma source(%dma_start3A_7 : memref<6x16xi32, #tpu.memory_space<hbm>>) target(%arg9 : memref<6x16xi32, #tpu.memory_space<vmem>>) target_semaphore(%arg22 : memref<!tpu.dma_semaphore, #tpu.memory_space<semaphore_mem>>)
    %dma_start3A_8 = arith.constant 0 : i32
    %dma_start3A_9 = arith.constant 0 : i32
    %dma_start3A_10 = tpu.memref_slice %arg5[%add3A, %dma_start3A_8, %dma_start3A_9] : memref<32x6x16xi32, #tpu.memory_space<hbm>> -> memref<1x6x16xi32, #tpu.memory_space<hbm>>
    %dma_start3A_11 = tpu.memref_squeeze %dma_start3A_10 : memref<1x6x16xi32, #tpu.memory_space<hbm>> -> memref<6x16xi32, #tpu.memory_space<hbm>>
    %dma_start3A_12 = arith.constant 0 : i32
    %dma_start3A_13 = arith.constant 0 : i32
    %dma_start3A_14 = tpu.memref_slice %arg5[%add3A, %dma_start3A_12, %dma_start3A_13] : memref<32x6x16xi32, #tpu.memory_space<hbm>> -> memref<1x6x16xi32, #tpu.memory_space<hbm>>
    %dma_start3A_15 = tpu.memref_squeeze %dma_start3A_14 : memref<1x6x16xi32, #tpu.memory_space<hbm>> -> memref<6x16xi32, #tpu.memory_space<hbm>>
    tpu.enqueue_dma source(%dma_start3A_15 : memref<6x16xi32, #tpu.memory_space<hbm>>) target(%arg10 : memref<6x16xi32, #tpu.memory_space<vmem>>) target_semaphore(%arg22 : memref<!tpu.dma_semaphore, #tpu.memory_space<semaphore_mem>>)
    %dma_start3A_16 = arith.constant 0 : i32
    %dma_start3A_17 = arith.constant 0 : i32
    %dma_start3A_18 = tpu.memref_slice %arg6[%add3A, %dma_start3A_16, %dma_start3A_17] : memref<32x4x16xi32, #tpu.memory_space<hbm>> -> memref<1x4x16xi32, #tpu.memory_space<hbm>>
    %dma_start3A_19 = tpu.memref_squeeze %dma_start3A_18 : memref<1x4x16xi32, #tpu.memory_space<hbm>> -> memref<4x16xi32, #tpu.memory_space<hbm>>
    %dma_start3A_20 = arith.constant 0 : i32
    %dma_start3A_21 = arith.constant 0 : i32
    %dma_start3A_22 = tpu.memref_slice %arg6[%add3A, %dma_start3A_20, %dma_start3A_21] : memref<32x4x16xi32, #tpu.memory_space<hbm>> -> memref<1x4x16xi32, #tpu.memory_space<hbm>>
    %dma_start3A_23 = tpu.memref_squeeze %dma_start3A_22 : memref<1x4x16xi32, #tpu.memory_space<hbm>> -> memref<4x16xi32, #tpu.memory_space<hbm>>
    tpu.enqueue_dma source(%dma_start3A_23 : memref<4x16xi32, #tpu.memory_space<hbm>>) target(%arg11 : memref<4x16xi32, #tpu.memory_space<vmem>>) target_semaphore(%arg22 : memref<!tpu.dma_semaphore, #tpu.memory_space<semaphore_mem>>)
    %dma_start3A_24 = arith.constant 0 : i32
    %dma_start3A_25 = arith.constant 0 : i32
    %dma_start3A_26 = tpu.memref_slice %arg7[%add3A, %dma_start3A_24, %dma_start3A_25] : memref<32x4x16xi32, #tpu.memory_space<hbm>> -> memref<1x4x16xi32, #tpu.memory_space<hbm>>
    %dma_start3A_27 = tpu.memref_squeeze %dma_start3A_26 : memref<1x4x16xi32, #tpu.memory_space<hbm>> -> memref<4x16xi32, #tpu.memory_space<hbm>>
    %dma_start3A_28 = arith.constant 0 : i32
    %dma_start3A_29 = arith.constant 0 : i32
    %dma_start3A_30 = tpu.memref_slice %arg7[%add3A, %dma_start3A_28, %dma_start3A_29] : memref<32x4x16xi32, #tpu.memory_space<hbm>> -> memref<1x4x16xi32, #tpu.memory_space<hbm>>
    %dma_start3A_31 = tpu.memref_squeeze %dma_start3A_30 : memref<1x4x16xi32, #tpu.memory_space<hbm>> -> memref<4x16xi32, #tpu.memory_space<hbm>>
    tpu.enqueue_dma source(%dma_start3A_31 : memref<4x16xi32, #tpu.memory_space<hbm>>) target(%arg12 : memref<4x16xi32, #tpu.memory_space<vmem>>) target_semaphore(%arg22 : memref<!tpu.dma_semaphore, #tpu.memory_space<semaphore_mem>>)
    %dma_wait3A = arith.constant 0 : i32
    %dma_wait3A_32 = arith.constant 0 : i32
    %dma_wait3A_33 = tpu.memref_slice %arg4[%add3A, %dma_wait3A, %dma_wait3A_32] : memref<32x6x16xi32, #tpu.memory_space<hbm>> -> memref<1x6x16xi32, #tpu.memory_space<hbm>>
    %dma_wait3A_34 = tpu.memref_squeeze %dma_wait3A_33 : memref<1x6x16xi32, #tpu.memory_space<hbm>> -> memref<6x16xi32, #tpu.memory_space<hbm>>
    %dma_wait3A_35 = arith.constant 0 : i32
    %dma_wait3A_36 = arith.constant 0 : i32
    %dma_wait3A_37 = tpu.memref_slice %arg4[%add3A, %dma_wait3A_35, %dma_wait3A_36] : memref<32x6x16xi32, #tpu.memory_space<hbm>> -> memref<1x6x16xi32, #tpu.memory_space<hbm>>
    %dma_wait3A_38 = tpu.memref_squeeze %dma_wait3A_37 : memref<1x6x16xi32, #tpu.memory_space<hbm>> -> memref<6x16xi32, #tpu.memory_space<hbm>>
    tpu.wait_dma2 semaphore(%arg22 : memref<!tpu.dma_semaphore, #tpu.memory_space<semaphore_mem>>) src(%dma_wait3A_38 : memref<6x16xi32, #tpu.memory_space<hbm>>) dst(%arg9 : memref<6x16xi32, #tpu.memory_space<vmem>>)
    %dma_wait3A_39 = arith.constant 0 : i32
    %dma_wait3A_40 = arith.constant 0 : i32
    %dma_wait3A_41 = tpu.memref_slice %arg5[%add3A, %dma_wait3A_39, %dma_wait3A_40] : memref<32x6x16xi32, #tpu.memory_space<hbm>> -> memref<1x6x16xi32, #tpu.memory_space<hbm>>
    %dma_wait3A_42 = tpu.memref_squeeze %dma_wait3A_41 : memref<1x6x16xi32, #tpu.memory_space<hbm>> -> memref<6x16xi32, #tpu.memory_space<hbm>>
    %dma_wait3A_43 = arith.constant 0 : i32
    %dma_wait3A_44 = arith.constant 0 : i32
    %dma_wait3A_45 = tpu.memref_slice %arg5[%add3A, %dma_wait3A_43, %dma_wait3A_44] : memref<32x6x16xi32, #tpu.memory_space<hbm>> -> memref<1x6x16xi32, #tpu.memory_space<hbm>>
    %dma_wait3A_46 = tpu.memref_squeeze %dma_wait3A_45 : memref<1x6x16xi32, #tpu.memory_space<hbm>> -> memref<6x16xi32, #tpu.memory_space<hbm>>
    tpu.wait_dma2 semaphore(%arg22 : memref<!tpu.dma_semaphore, #tpu.memory_space<semaphore_mem>>) src(%dma_wait3A_46 : memref<6x16xi32, #tpu.memory_space<hbm>>) dst(%arg10 : memref<6x16xi32, #tpu.memory_space<vmem>>)
    %dma_wait3A_47 = arith.constant 0 : i32
    %dma_wait3A_48 = arith.constant 0 : i32
    %dma_wait3A_49 = tpu.memref_slice %arg6[%add3A, %dma_wait3A_47, %dma_wait3A_48] : memref<32x4x16xi32, #tpu.memory_space<hbm>> -> memref<1x4x16xi32, #tpu.memory_space<hbm>>
    %dma_wait3A_50 = tpu.memref_squeeze %dma_wait3A_49 : memref<1x4x16xi32, #tpu.memory_space<hbm>> -> memref<4x16xi32, #tpu.memory_space<hbm>>
    %dma_wait3A_51 = arith.constant 0 : i32
    %dma_wait3A_52 = arith.constant 0 : i32
    %dma_wait3A_53 = tpu.memref_slice %arg6[%add3A, %dma_wait3A_51, %dma_wait3A_52] : memref<32x4x16xi32, #tpu.memory_space<hbm>> -> memref<1x4x16xi32, #tpu.memory_space<hbm>>
    %dma_wait3A_54 = tpu.memref_squeeze %dma_wait3A_53 : memref<1x4x16xi32, #tpu.memory_space<hbm>> -> memref<4x16xi32, #tpu.memory_space<hbm>>
    tpu.wait_dma2 semaphore(%arg22 : memref<!tpu.dma_semaphore, #tpu.memory_space<semaphore_mem>>) src(%dma_wait3A_54 : memref<4x16xi32, #tpu.memory_space<hbm>>) dst(%arg11 : memref<4x16xi32, #tpu.memory_space<vmem>>)
    %dma_wait3A_55 = arith.constant 0 : i32
    %dma_wait3A_56 = arith.constant 0 : i32
    %dma_wait3A_57 = tpu.memref_slice %arg7[%add3A, %dma_wait3A_55, %dma_wait3A_56] : memref<32x4x16xi32, #tpu.memory_space<hbm>> -> memref<1x4x16xi32, #tpu.memory_space<hbm>>
    %dma_wait3A_58 = tpu.memref_squeeze %dma_wait3A_57 : memref<1x4x16xi32, #tpu.memory_space<hbm>> -> memref<4x16xi32, #tpu.memory_space<hbm>>
    %dma_wait3A_59 = arith.constant 0 : i32
    %dma_wait3A_60 = arith.constant 0 : i32
    %dma_wait3A_61 = tpu.memref_slice %arg7[%add3A, %dma_wait3A_59, %dma_wait3A_60] : memref<32x4x16xi32, #tpu.memory_space<hbm>> -> memref<1x4x16xi32, #tpu.memory_space<hbm>>
    %dma_wait3A_62 = tpu.memref_squeeze %dma_wait3A_61 : memref<1x4x16xi32, #tpu.memory_space<hbm>> -> memref<4x16xi32, #tpu.memory_space<hbm>>
    tpu.wait_dma2 semaphore(%arg22 : memref<!tpu.dma_semaphore, #tpu.memory_space<semaphore_mem>>) src(%dma_wait3A_62 : memref<4x16xi32, #tpu.memory_space<hbm>>) dst(%arg12 : memref<4x16xi32, #tpu.memory_space<vmem>>)
    %dma_start3A_63 = arith.constant 0 : i32
    %dma_start3A_64 = arith.constant 0 : i32
    %dma_start3A_65 = tpu.memref_slice %arg9[%dma_start3A_63, %dma_start3A_64] : memref<6x16xi32, #tpu.memory_space<vmem>> -> memref<1x16xi32, #tpu.memory_space<vmem>>
    %dma_start3A_66 = tpu.memref_squeeze %dma_start3A_65 : memref<1x16xi32, #tpu.memory_space<vmem>> -> memref<16xi32, #tpu.memory_space<vmem>>
    %dma_start3A_67 = arith.constant 0 : i32
    %dma_start3A_68 = arith.constant 0 : i32
    %dma_start3A_69 = tpu.memref_slice %arg2[%dma_start3A_67, %dma_start3A_68] : memref<4096x2048xf32, #tpu.memory_space<hbm>> -> memref<4096x2048xf32, #tpu.memory_space<hbm>>
    tpu.enqueue_indirect_dma source(%dma_start3A_69 : memref<4096x2048xf32, #tpu.memory_space<hbm>>) target(%arg13 : memref<16x2048xf32, #tpu.memory_space<vmem>>) offsets(%dma_start3A_66 : memref<16xi32, #tpu.memory_space<vmem>>) semaphore(%arg16 : memref<!tpu.dma_semaphore, #tpu.memory_space<semaphore_mem>>)
    %dma_start3A_70 = arith.constant 1 : i32
    %dma_start3A_71 = arith.constant 0 : i32
    %dma_start3A_72 = tpu.memref_slice %arg9[%dma_start3A_70, %dma_start3A_71] : memref<6x16xi32, #tpu.memory_space<vmem>> -> memref<1x16xi32, #tpu.memory_space<vmem>>
    %dma_start3A_73 = tpu.memref_squeeze %dma_start3A_72 : memref<1x16xi32, #tpu.memory_space<vmem>> -> memref<16xi32, #tpu.memory_space<vmem>>
    %dma_start3A_74 = arith.constant 0 : i32
    %dma_start3A_75 = arith.constant 0 : i32
    %dma_start3A_76 = tpu.memref_slice %arg2[%dma_start3A_74, %dma_start3A_75] : memref<4096x2048xf32, #tpu.memory_space<hbm>> -> memref<4096x2048xf32, #tpu.memory_space<hbm>>
    tpu.enqueue_indirect_dma source(%dma_start3A_76 : memref<4096x2048xf32, #tpu.memory_space<hbm>>) target(%arg14 : memref<16x2048xf32, #tpu.memory_space<vmem>>) offsets(%dma_start3A_73 : memref<16xi32, #tpu.memory_space<vmem>>) semaphore(%arg17 : memref<!tpu.dma_semaphore, #tpu.memory_space<semaphore_mem>>)
    %dma_wait3A_77 = arith.constant 0 : i32
    %dma_wait3A_78 = arith.constant 0 : i32
    %dma_wait3A_79 = tpu.memref_slice %arg9[%dma_wait3A_77, %dma_wait3A_78] : memref<6x16xi32, #tpu.memory_space<vmem>> -> memref<1x16xi32, #tpu.memory_space<vmem>>
    %dma_wait3A_80 = tpu.memref_squeeze %dma_wait3A_79 : memref<1x16xi32, #tpu.memory_space<vmem>> -> memref<16xi32, #tpu.memory_space<vmem>>
    %dma_wait3A_81 = arith.constant 0 : i32
    %dma_wait3A_82 = arith.constant 0 : i32
    %dma_wait3A_83 = tpu.memref_slice %arg2[%dma_wait3A_81, %dma_wait3A_82] : memref<4096x2048xf32, #tpu.memory_space<hbm>> -> memref<4096x2048xf32, #tpu.memory_space<hbm>>
    tpu.wait_indirect_dma semaphore(%arg16 : memref<!tpu.dma_semaphore, #tpu.memory_space<semaphore_mem>>) src(%dma_wait3A_83 : memref<4096x2048xf32, #tpu.memory_space<hbm>>) dst(%arg13 : memref<16x2048xf32, #tpu.memory_space<vmem>>)
    %dma_start3A_84 = arith.constant 0 : i32
    %dma_start3A_85 = arith.constant 0 : i32
    %dma_start3A_86 = tpu.memref_slice %arg10[%dma_start3A_84, %dma_start3A_85] : memref<6x16xi32, #tpu.memory_space<vmem>> -> memref<1x16xi32, #tpu.memory_space<vmem>>
    %dma_start3A_87 = tpu.memref_squeeze %dma_start3A_86 : memref<1x16xi32, #tpu.memory_space<vmem>> -> memref<16xi32, #tpu.memory_space<vmem>>
    %dma_start3A_88 = arith.constant 0 : i32
    %dma_start3A_89 = arith.constant 0 : i32
    %dma_start3A_90 = tpu.memref_slice %arg8[%dma_start3A_88, %dma_start3A_89] : memref<5120x2048xf32, #tpu.memory_space<hbm>> -> memref<5120x2048xf32, #tpu.memory_space<hbm>>
    tpu.enqueue_indirect_dma source(%arg13 : memref<16x2048xf32, #tpu.memory_space<vmem>>) target(%dma_start3A_90 : memref<5120x2048xf32, #tpu.memory_space<hbm>>) offsets(%dma_start3A_87 : memref<16xi32, #tpu.memory_space<vmem>>) semaphore(%arg19 : memref<!tpu.dma_semaphore, #tpu.memory_space<semaphore_mem>>)
    %dma_start3A_91 = arith.constant 2 : i32
    %dma_start3A_92 = arith.constant 0 : i32
    %dma_start3A_93 = tpu.memref_slice %arg9[%dma_start3A_91, %dma_start3A_92] : memref<6x16xi32, #tpu.memory_space<vmem>> -> memref<1x16xi32, #tpu.memory_space<vmem>>
    %dma_start3A_94 = tpu.memref_squeeze %dma_start3A_93 : memref<1x16xi32, #tpu.memory_space<vmem>> -> memref<16xi32, #tpu.memory_space<vmem>>
    %dma_start3A_95 = arith.constant 0 : i32
    %dma_start3A_96 = arith.constant 0 : i32
    %dma_start3A_97 = tpu.memref_slice %arg2[%dma_start3A_95, %dma_start3A_96] : memref<4096x2048xf32, #tpu.memory_space<hbm>> -> memref<4096x2048xf32, #tpu.memory_space<hbm>>
    tpu.enqueue_indirect_dma source(%dma_start3A_97 : memref<4096x2048xf32, #tpu.memory_space<hbm>>) target(%arg15 : memref<16x2048xf32, #tpu.memory_space<vmem>>) offsets(%dma_start3A_94 : memref<16xi32, #tpu.memory_space<vmem>>) semaphore(%arg18 : memref<!tpu.dma_semaphore, #tpu.memory_space<semaphore_mem>>)
    %dma_wait3A_98 = arith.constant 1 : i32
    %dma_wait3A_99 = arith.constant 0 : i32
    %dma_wait3A_100 = tpu.memref_slice %arg9[%dma_wait3A_98, %dma_wait3A_99] : memref<6x16xi32, #tpu.memory_space<vmem>> -> memref<1x16xi32, #tpu.memory_space<vmem>>
    %dma_wait3A_101 = tpu.memref_squeeze %dma_wait3A_100 : memref<1x16xi32, #tpu.memory_space<vmem>> -> memref<16xi32, #tpu.memory_space<vmem>>
    %dma_wait3A_102 = arith.constant 0 : i32
    %dma_wait3A_103 = arith.constant 0 : i32
    %dma_wait3A_104 = tpu.memref_slice %arg2[%dma_wait3A_102, %dma_wait3A_103] : memref<4096x2048xf32, #tpu.memory_space<hbm>> -> memref<4096x2048xf32, #tpu.memory_space<hbm>>
    tpu.wait_indirect_dma semaphore(%arg17 : memref<!tpu.dma_semaphore, #tpu.memory_space<semaphore_mem>>) src(%dma_wait3A_104 : memref<4096x2048xf32, #tpu.memory_space<hbm>>) dst(%arg14 : memref<16x2048xf32, #tpu.memory_space<vmem>>)
    %dma_start3A_105 = arith.constant 1 : i32
    %dma_start3A_106 = arith.constant 0 : i32
    %dma_start3A_107 = tpu.memref_slice %arg10[%dma_start3A_105, %dma_start3A_106] : memref<6x16xi32, #tpu.memory_space<vmem>> -> memref<1x16xi32, #tpu.memory_space<vmem>>
    %dma_start3A_108 = tpu.memref_squeeze %dma_start3A_107 : memref<1x16xi32, #tpu.memory_space<vmem>> -> memref<16xi32, #tpu.memory_space<vmem>>
    %dma_start3A_109 = arith.constant 0 : i32
    %dma_start3A_110 = arith.constant 0 : i32
    %dma_start3A_111 = tpu.memref_slice %arg8[%dma_start3A_109, %dma_start3A_110] : memref<5120x2048xf32, #tpu.memory_space<hbm>> -> memref<5120x2048xf32, #tpu.memory_space<hbm>>
    tpu.enqueue_indirect_dma source(%arg14 : memref<16x2048xf32, #tpu.memory_space<vmem>>) target(%dma_start3A_111 : memref<5120x2048xf32, #tpu.memory_space<hbm>>) offsets(%dma_start3A_108 : memref<16xi32, #tpu.memory_space<vmem>>) semaphore(%arg20 : memref<!tpu.dma_semaphore, #tpu.memory_space<semaphore_mem>>)
    %dma_wait3A_112 = arith.constant 0 : i32
    %dma_wait3A_113 = arith.constant 0 : i32
    %dma_wait3A_114 = tpu.memref_slice %arg10[%dma_wait3A_112, %dma_wait3A_113] : memref<6x16xi32, #tpu.memory_space<vmem>> -> memref<1x16xi32, #tpu.memory_space<vmem>>
    %dma_wait3A_115 = tpu.memref_squeeze %dma_wait3A_114 : memref<1x16xi32, #tpu.memory_space<vmem>> -> memref<16xi32, #tpu.memory_space<vmem>>
    %dma_wait3A_116 = arith.constant 0 : i32
    %dma_wait3A_117 = arith.constant 0 : i32
    %dma_wait3A_118 = tpu.memref_slice %arg8[%dma_wait3A_116, %dma_wait3A_117] : memref<5120x2048xf32, #tpu.memory_space<hbm>> -> memref<5120x2048xf32, #tpu.memory_space<hbm>>
    tpu.wait_indirect_dma semaphore(%arg19 : memref<!tpu.dma_semaphore, #tpu.memory_space<semaphore_mem>>) src(%arg13 : memref<16x2048xf32, #tpu.memory_space<vmem>>) dst(%dma_wait3A_118 : memref<5120x2048xf32, #tpu.memory_space<hbm>>)
    %dma_start3A_119 = arith.constant 3 : i32
    %dma_start3A_120 = arith.constant 0 : i32
    %dma_start3A_121 = tpu.memref_slice %arg9[%dma_start3A_119, %dma_start3A_120] : memref<6x16xi32, #tpu.memory_space<vmem>> -> memref<1x16xi32, #tpu.memory_space<vmem>>
    %dma_start3A_122 = tpu.memref_squeeze %dma_start3A_121 : memref<1x16xi32, #tpu.memory_space<vmem>> -> memref<16xi32, #tpu.memory_space<vmem>>
    %dma_start3A_123 = arith.constant 0 : i32
    %dma_start3A_124 = arith.constant 0 : i32
    %dma_start3A_125 = tpu.memref_slice %arg2[%dma_start3A_123, %dma_start3A_124] : memref<4096x2048xf32, #tpu.memory_space<hbm>> -> memref<4096x2048xf32, #tpu.memory_space<hbm>>
    tpu.enqueue_indirect_dma source(%dma_start3A_125 : memref<4096x2048xf32, #tpu.memory_space<hbm>>) target(%arg13 : memref<16x2048xf32, #tpu.memory_space<vmem>>) offsets(%dma_start3A_122 : memref<16xi32, #tpu.memory_space<vmem>>) semaphore(%arg16 : memref<!tpu.dma_semaphore, #tpu.memory_space<semaphore_mem>>)
    %dma_wait3A_126 = arith.constant 2 : i32
    %dma_wait3A_127 = arith.constant 0 : i32
    %dma_wait3A_128 = tpu.memref_slice %arg9[%dma_wait3A_126, %dma_wait3A_127] : memref<6x16xi32, #tpu.memory_space<vmem>> -> memref<1x16xi32, #tpu.memory_space<vmem>>
    %dma_wait3A_129 = tpu.memref_squeeze %dma_wait3A_128 : memref<1x16xi32, #tpu.memory_space<vmem>> -> memref<16xi32, #tpu.memory_space<vmem>>
    %dma_wait3A_130 = arith.constant 0 : i32
    %dma_wait3A_131 = arith.constant 0 : i32
    %dma_wait3A_132 = tpu.memref_slice %arg2[%dma_wait3A_130, %dma_wait3A_131] : memref<4096x2048xf32, #tpu.memory_space<hbm>> -> memref<4096x2048xf32, #tpu.memory_space<hbm>>
    tpu.wait_indirect_dma semaphore(%arg18 : memref<!tpu.dma_semaphore, #tpu.memory_space<semaphore_mem>>) src(%dma_wait3A_132 : memref<4096x2048xf32, #tpu.memory_space<hbm>>) dst(%arg15 : memref<16x2048xf32, #tpu.memory_space<vmem>>)
    %dma_start3A_133 = arith.constant 2 : i32
    %dma_start3A_134 = arith.constant 0 : i32
    %dma_start3A_135 = tpu.memref_slice %arg10[%dma_start3A_133, %dma_start3A_134] : memref<6x16xi32, #tpu.memory_space<vmem>> -> memref<1x16xi32, #tpu.memory_space<vmem>>
    %dma_start3A_136 = tpu.memref_squeeze %dma_start3A_135 : memref<1x16xi32, #tpu.memory_space<vmem>> -> memref<16xi32, #tpu.memory_space<vmem>>
    %dma_start3A_137 = arith.constant 0 : i32
    %dma_start3A_138 = arith.constant 0 : i32
    %dma_start3A_139 = tpu.memref_slice %arg8[%dma_start3A_137, %dma_start3A_138] : memref<5120x2048xf32, #tpu.memory_space<hbm>> -> memref<5120x2048xf32, #tpu.memory_space<hbm>>
    tpu.enqueue_indirect_dma source(%arg15 : memref<16x2048xf32, #tpu.memory_space<vmem>>) target(%dma_start3A_139 : memref<5120x2048xf32, #tpu.memory_space<hbm>>) offsets(%dma_start3A_136 : memref<16xi32, #tpu.memory_space<vmem>>) semaphore(%arg21 : memref<!tpu.dma_semaphore, #tpu.memory_space<semaphore_mem>>)
    %dma_wait3A_140 = arith.constant 1 : i32
    %dma_wait3A_141 = arith.constant 0 : i32
    %dma_wait3A_142 = tpu.memref_slice %arg10[%dma_wait3A_140, %dma_wait3A_141] : memref<6x16xi32, #tpu.memory_space<vmem>> -> memref<1x16xi32, #tpu.memory_space<vmem>>
    %dma_wait3A_143 = tpu.memref_squeeze %dma_wait3A_142 : memref<1x16xi32, #tpu.memory_space<vmem>> -> memref<16xi32, #tpu.memory_space<vmem>>
    %dma_wait3A_144 = arith.constant 0 : i32
    %dma_wait3A_145 = arith.constant 0 : i32
    %dma_wait3A_146 = tpu.memref_slice %arg8[%dma_wait3A_144, %dma_wait3A_145] : memref<5120x2048xf32, #tpu.memory_space<hbm>> -> memref<5120x2048xf32, #tpu.memory_space<hbm>>
    tpu.wait_indirect_dma semaphore(%arg20 : memref<!tpu.dma_semaphore, #tpu.memory_space<semaphore_mem>>) src(%arg14 : memref<16x2048xf32, #tpu.memory_space<vmem>>) dst(%dma_wait3A_146 : memref<5120x2048xf32, #tpu.memory_space<hbm>>)
    %dma_start3A_147 = arith.constant 4 : i32
    %dma_start3A_148 = arith.constant 0 : i32
    %dma_start3A_149 = tpu.memref_slice %arg9[%dma_start3A_147, %dma_start3A_148] : memref<6x16xi32, #tpu.memory_space<vmem>> -> memref<1x16xi32, #tpu.memory_space<vmem>>
    %dma_start3A_150 = tpu.memref_squeeze %dma_start3A_149 : memref<1x16xi32, #tpu.memory_space<vmem>> -> memref<16xi32, #tpu.memory_space<vmem>>
    %dma_start3A_151 = arith.constant 0 : i32
    %dma_start3A_152 = arith.constant 0 : i32
    %dma_start3A_153 = tpu.memref_slice %arg2[%dma_start3A_151, %dma_start3A_152] : memref<4096x2048xf32, #tpu.memory_space<hbm>> -> memref<4096x2048xf32, #tpu.memory_space<hbm>>
    tpu.enqueue_indirect_dma source(%dma_start3A_153 : memref<4096x2048xf32, #tpu.memory_space<hbm>>) target(%arg14 : memref<16x2048xf32, #tpu.memory_space<vmem>>) offsets(%dma_start3A_150 : memref<16xi32, #tpu.memory_space<vmem>>) semaphore(%arg17 : memref<!tpu.dma_semaphore, #tpu.memory_space<semaphore_mem>>)
    %dma_wait3A_154 = arith.constant 3 : i32
    %dma_wait3A_155 = arith.constant 0 : i32
    %dma_wait3A_156 = tpu.memref_slice %arg9[%dma_wait3A_154, %dma_wait3A_155] : memref<6x16xi32, #tpu.memory_space<vmem>> -> memref<1x16xi32, #tpu.memory_space<vmem>>
    %dma_wait3A_157 = tpu.memref_squeeze %dma_wait3A_156 : memref<1x16xi32, #tpu.memory_space<vmem>> -> memref<16xi32, #tpu.memory_space<vmem>>
    %dma_wait3A_158 = arith.constant 0 : i32
    %dma_wait3A_159 = arith.constant 0 : i32
    %dma_wait3A_160 = tpu.memref_slice %arg2[%dma_wait3A_158, %dma_wait3A_159] : memref<4096x2048xf32, #tpu.memory_space<hbm>> -> memref<4096x2048xf32, #tpu.memory_space<hbm>>
    tpu.wait_indirect_dma semaphore(%arg16 : memref<!tpu.dma_semaphore, #tpu.memory_space<semaphore_mem>>) src(%dma_wait3A_160 : memref<4096x2048xf32, #tpu.memory_space<hbm>>) dst(%arg13 : memref<16x2048xf32, #tpu.memory_space<vmem>>)
    %dma_start3A_161 = arith.constant 3 : i32
    %dma_start3A_162 = arith.constant 0 : i32
    %dma_start3A_163 = tpu.memref_slice %arg10[%dma_start3A_161, %dma_start3A_162] : memref<6x16xi32, #tpu.memory_space<vmem>> -> memref<1x16xi32, #tpu.memory_space<vmem>>
    %dma_start3A_164 = tpu.memref_squeeze %dma_start3A_163 : memref<1x16xi32, #tpu.memory_space<vmem>> -> memref<16xi32, #tpu.memory_space<vmem>>
    %dma_start3A_165 = arith.constant 0 : i32
    %dma_start3A_166 = arith.constant 0 : i32
    %dma_start3A_167 = tpu.memref_slice %arg8[%dma_start3A_165, %dma_start3A_166] : memref<5120x2048xf32, #tpu.memory_space<hbm>> -> memref<5120x2048xf32, #tpu.memory_space<hbm>>
    tpu.enqueue_indirect_dma source(%arg13 : memref<16x2048xf32, #tpu.memory_space<vmem>>) target(%dma_start3A_167 : memref<5120x2048xf32, #tpu.memory_space<hbm>>) offsets(%dma_start3A_164 : memref<16xi32, #tpu.memory_space<vmem>>) semaphore(%arg19 : memref<!tpu.dma_semaphore, #tpu.memory_space<semaphore_mem>>)
    %dma_wait3A_168 = arith.constant 2 : i32
    %dma_wait3A_169 = arith.constant 0 : i32
    %dma_wait3A_170 = tpu.memref_slice %arg10[%dma_wait3A_168, %dma_wait3A_169] : memref<6x16xi32, #tpu.memory_space<vmem>> -> memref<1x16xi32, #tpu.memory_space<vmem>>
    %dma_wait3A_171 = tpu.memref_squeeze %dma_wait3A_170 : memref<1x16xi32, #tpu.memory_space<vmem>> -> memref<16xi32, #tpu.memory_space<vmem>>
    %dma_wait3A_172 = arith.constant 0 : i32
    %dma_wait3A_173 = arith.constant 0 : i32
    %dma_wait3A_174 = tpu.memref_slice %arg8[%dma_wait3A_172, %dma_wait3A_173] : memref<5120x2048xf32, #tpu.memory_space<hbm>> -> memref<5120x2048xf32, #tpu.memory_space<hbm>>
    tpu.wait_indirect_dma semaphore(%arg21 : memref<!tpu.dma_semaphore, #tpu.memory_space<semaphore_mem>>) src(%arg15 : memref<16x2048xf32, #tpu.memory_space<vmem>>) dst(%dma_wait3A_174 : memref<5120x2048xf32, #tpu.memory_space<hbm>>)
    %dma_start3A_175 = arith.constant 5 : i32
    %dma_start3A_176 = arith.constant 0 : i32
    %dma_start3A_177 = tpu.memref_slice %arg9[%dma_start3A_175, %dma_start3A_176] : memref<6x16xi32, #tpu.memory_space<vmem>> -> memref<1x16xi32, #tpu.memory_space<vmem>>
    %dma_start3A_178 = tpu.memref_squeeze %dma_start3A_177 : memref<1x16xi32, #tpu.memory_space<vmem>> -> memref<16xi32, #tpu.memory_space<vmem>>
    %dma_start3A_179 = arith.constant 0 : i32
    %dma_start3A_180 = arith.constant 0 : i32
    %dma_start3A_181 = tpu.memref_slice %arg2[%dma_start3A_179, %dma_start3A_180] : memref<4096x2048xf32, #tpu.memory_space<hbm>> -> memref<4096x2048xf32, #tpu.memory_space<hbm>>
    tpu.enqueue_indirect_dma source(%dma_start3A_181 : memref<4096x2048xf32, #tpu.memory_space<hbm>>) target(%arg15 : memref<16x2048xf32, #tpu.memory_space<vmem>>) offsets(%dma_start3A_178 : memref<16xi32, #tpu.memory_space<vmem>>) semaphore(%arg18 : memref<!tpu.dma_semaphore, #tpu.memory_space<semaphore_mem>>)
    %dma_wait3A_182 = arith.constant 4 : i32
    %dma_wait3A_183 = arith.constant 0 : i32
    %dma_wait3A_184 = tpu.memref_slice %arg9[%dma_wait3A_182, %dma_wait3A_183] : memref<6x16xi32, #tpu.memory_space<vmem>> -> memref<1x16xi32, #tpu.memory_space<vmem>>
    %dma_wait3A_185 = tpu.memref_squeeze %dma_wait3A_184 : memref<1x16xi32, #tpu.memory_space<vmem>> -> memref<16xi32, #tpu.memory_space<vmem>>
    %dma_wait3A_186 = arith.constant 0 : i32
    %dma_wait3A_187 = arith.constant 0 : i32
    %dma_wait3A_188 = tpu.memref_slice %arg2[%dma_wait3A_186, %dma_wait3A_187] : memref<4096x2048xf32, #tpu.memory_space<hbm>> -> memref<4096x2048xf32, #tpu.memory_space<hbm>>
    tpu.wait_indirect_dma semaphore(%arg17 : memref<!tpu.dma_semaphore, #tpu.memory_space<semaphore_mem>>) src(%dma_wait3A_188 : memref<4096x2048xf32, #tpu.memory_space<hbm>>) dst(%arg14 : memref<16x2048xf32, #tpu.memory_space<vmem>>)
    %dma_start3A_189 = arith.constant 4 : i32
    %dma_start3A_190 = arith.constant 0 : i32
    %dma_start3A_191 = tpu.memref_slice %arg10[%dma_start3A_189, %dma_start3A_190] : memref<6x16xi32, #tpu.memory_space<vmem>> -> memref<1x16xi32, #tpu.memory_space<vmem>>
    %dma_start3A_192 = tpu.memref_squeeze %dma_start3A_191 : memref<1x16xi32, #tpu.memory_space<vmem>> -> memref<16xi32, #tpu.memory_space<vmem>>
    %dma_start3A_193 = arith.constant 0 : i32
    %dma_start3A_194 = arith.constant 0 : i32
    %dma_start3A_195 = tpu.memref_slice %arg8[%dma_start3A_193, %dma_start3A_194] : memref<5120x2048xf32, #tpu.memory_space<hbm>> -> memref<5120x2048xf32, #tpu.memory_space<hbm>>
    tpu.enqueue_indirect_dma source(%arg14 : memref<16x2048xf32, #tpu.memory_space<vmem>>) target(%dma_start3A_195 : memref<5120x2048xf32, #tpu.memory_space<hbm>>) offsets(%dma_start3A_192 : memref<16xi32, #tpu.memory_space<vmem>>) semaphore(%arg20 : memref<!tpu.dma_semaphore, #tpu.memory_space<semaphore_mem>>)
    %dma_wait3A_196 = arith.constant 3 : i32
    %dma_wait3A_197 = arith.constant 0 : i32
    %dma_wait3A_198 = tpu.memref_slice %arg10[%dma_wait3A_196, %dma_wait3A_197] : memref<6x16xi32, #tpu.memory_space<vmem>> -> memref<1x16xi32, #tpu.memory_space<vmem>>
    %dma_wait3A_199 = tpu.memref_squeeze %dma_wait3A_198 : memref<1x16xi32, #tpu.memory_space<vmem>> -> memref<16xi32, #tpu.memory_space<vmem>>
    %dma_wait3A_200 = arith.constant 0 : i32
    %dma_wait3A_201 = arith.constant 0 : i32
    %dma_wait3A_202 = tpu.memref_slice %arg8[%dma_wait3A_200, %dma_wait3A_201] : memref<5120x2048xf32, #tpu.memory_space<hbm>> -> memref<5120x2048xf32, #tpu.memory_space<hbm>>
    tpu.wait_indirect_dma semaphore(%arg19 : memref<!tpu.dma_semaphore, #tpu.memory_space<semaphore_mem>>) src(%arg13 : memref<16x2048xf32, #tpu.memory_space<vmem>>) dst(%dma_wait3A_202 : memref<5120x2048xf32, #tpu.memory_space<hbm>>)
    %dma_start3A_203 = arith.constant 0 : i32
    %dma_start3A_204 = arith.constant 0 : i32
    %dma_start3A_205 = tpu.memref_slice %arg11[%dma_start3A_203, %dma_start3A_204] : memref<4x16xi32, #tpu.memory_space<vmem>> -> memref<1x16xi32, #tpu.memory_space<vmem>>
    %dma_start3A_206 = tpu.memref_squeeze %dma_start3A_205 : memref<1x16xi32, #tpu.memory_space<vmem>> -> memref<16xi32, #tpu.memory_space<vmem>>
    %dma_start3A_207 = arith.constant 0 : i32
    %dma_start3A_208 = arith.constant 0 : i32
    %dma_start3A_209 = tpu.memref_slice %arg3[%dma_start3A_207, %dma_start3A_208] : memref<8192x2048xf32, #tpu.memory_space<hbm>> -> memref<8192x2048xf32, #tpu.memory_space<hbm>>
    tpu.enqueue_indirect_dma source(%dma_start3A_209 : memref<8192x2048xf32, #tpu.memory_space<hbm>>) target(%arg13 : memref<16x2048xf32, #tpu.memory_space<vmem>>) offsets(%dma_start3A_206 : memref<16xi32, #tpu.memory_space<vmem>>) semaphore(%arg16 : memref<!tpu.dma_semaphore, #tpu.memory_space<semaphore_mem>>)
    %dma_wait3A_210 = arith.constant 5 : i32
    %dma_wait3A_211 = arith.constant 0 : i32
    %dma_wait3A_212 = tpu.memref_slice %arg9[%dma_wait3A_210, %dma_wait3A_211] : memref<6x16xi32, #tpu.memory_space<vmem>> -> memref<1x16xi32, #tpu.memory_space<vmem>>
    %dma_wait3A_213 = tpu.memref_squeeze %dma_wait3A_212 : memref<1x16xi32, #tpu.memory_space<vmem>> -> memref<16xi32, #tpu.memory_space<vmem>>
    %dma_wait3A_214 = arith.constant 0 : i32
    %dma_wait3A_215 = arith.constant 0 : i32
    %dma_wait3A_216 = tpu.memref_slice %arg2[%dma_wait3A_214, %dma_wait3A_215] : memref<4096x2048xf32, #tpu.memory_space<hbm>> -> memref<4096x2048xf32, #tpu.memory_space<hbm>>
    tpu.wait_indirect_dma semaphore(%arg18 : memref<!tpu.dma_semaphore, #tpu.memory_space<semaphore_mem>>) src(%dma_wait3A_216 : memref<4096x2048xf32, #tpu.memory_space<hbm>>) dst(%arg15 : memref<16x2048xf32, #tpu.memory_space<vmem>>)
    %dma_start3A_217 = arith.constant 5 : i32
    %dma_start3A_218 = arith.constant 0 : i32
    %dma_start3A_219 = tpu.memref_slice %arg10[%dma_start3A_217, %dma_start3A_218] : memref<6x16xi32, #tpu.memory_space<vmem>> -> memref<1x16xi32, #tpu.memory_space<vmem>>
    %dma_start3A_220 = tpu.memref_squeeze %dma_start3A_219 : memref<1x16xi32, #tpu.memory_space<vmem>> -> memref<16xi32, #tpu.memory_space<vmem>>
    %dma_start3A_221 = arith.constant 0 : i32
    %dma_start3A_222 = arith.constant 0 : i32
    %dma_start3A_223 = tpu.memref_slice %arg8[%dma_start3A_221, %dma_start3A_222] : memref<5120x2048xf32, #tpu.memory_space<hbm>> -> memref<5120x2048xf32, #tpu.memory_space<hbm>>
    tpu.enqueue_indirect_dma source(%arg15 : memref<16x2048xf32, #tpu.memory_space<vmem>>) target(%dma_start3A_223 : memref<5120x2048xf32, #tpu.memory_space<hbm>>) offsets(%dma_start3A_220 : memref<16xi32, #tpu.memory_space<vmem>>) semaphore(%arg21 : memref<!tpu.dma_semaphore, #tpu.memory_space<semaphore_mem>>)
    %dma_wait3A_224 = arith.constant 4 : i32
    %dma_wait3A_225 = arith.constant 0 : i32
    %dma_wait3A_226 = tpu.memref_slice %arg10[%dma_wait3A_224, %dma_wait3A_225] : memref<6x16xi32, #tpu.memory_space<vmem>> -> memref<1x16xi32, #tpu.memory_space<vmem>>
    %dma_wait3A_227 = tpu.memref_squeeze %dma_wait3A_226 : memref<1x16xi32, #tpu.memory_space<vmem>> -> memref<16xi32, #tpu.memory_space<vmem>>
    %dma_wait3A_228 = arith.constant 0 : i32
    %dma_wait3A_229 = arith.constant 0 : i32
    %dma_wait3A_230 = tpu.memref_slice %arg8[%dma_wait3A_228, %dma_wait3A_229] : memref<5120x2048xf32, #tpu.memory_space<hbm>> -> memref<5120x2048xf32, #tpu.memory_space<hbm>>
    tpu.wait_indirect_dma semaphore(%arg20 : memref<!tpu.dma_semaphore, #tpu.memory_space<semaphore_mem>>) src(%arg14 : memref<16x2048xf32, #tpu.memory_space<vmem>>) dst(%dma_wait3A_230 : memref<5120x2048xf32, #tpu.memory_space<hbm>>)
    %dma_start3A_231 = arith.constant 1 : i32
    %dma_start3A_232 = arith.constant 0 : i32
    %dma_start3A_233 = tpu.memref_slice %arg11[%dma_start3A_231, %dma_start3A_232] : memref<4x16xi32, #tpu.memory_space<vmem>> -> memref<1x16xi32, #tpu.memory_space<vmem>>
    %dma_start3A_234 = tpu.memref_squeeze %dma_start3A_233 : memref<1x16xi32, #tpu.memory_space<vmem>> -> memref<16xi32, #tpu.memory_space<vmem>>
    %dma_start3A_235 = arith.constant 0 : i32
    %dma_start3A_236 = arith.constant 0 : i32
    %dma_start3A_237 = tpu.memref_slice %arg3[%dma_start3A_235, %dma_start3A_236] : memref<8192x2048xf32, #tpu.memory_space<hbm>> -> memref<8192x2048xf32, #tpu.memory_space<hbm>>
    tpu.enqueue_indirect_dma source(%dma_start3A_237 : memref<8192x2048xf32, #tpu.memory_space<hbm>>) target(%arg14 : memref<16x2048xf32, #tpu.memory_space<vmem>>) offsets(%dma_start3A_234 : memref<16xi32, #tpu.memory_space<vmem>>) semaphore(%arg17 : memref<!tpu.dma_semaphore, #tpu.memory_space<semaphore_mem>>)
    %dma_wait3A_238 = arith.constant 0 : i32
    %dma_wait3A_239 = arith.constant 0 : i32
    %dma_wait3A_240 = tpu.memref_slice %arg11[%dma_wait3A_238, %dma_wait3A_239] : memref<4x16xi32, #tpu.memory_space<vmem>> -> memref<1x16xi32, #tpu.memory_space<vmem>>
    %dma_wait3A_241 = tpu.memref_squeeze %dma_wait3A_240 : memref<1x16xi32, #tpu.memory_space<vmem>> -> memref<16xi32, #tpu.memory_space<vmem>>
    %dma_wait3A_242 = arith.constant 0 : i32
    %dma_wait3A_243 = arith.constant 0 : i32
    %dma_wait3A_244 = tpu.memref_slice %arg3[%dma_wait3A_242, %dma_wait3A_243] : memref<8192x2048xf32, #tpu.memory_space<hbm>> -> memref<8192x2048xf32, #tpu.memory_space<hbm>>
    tpu.wait_indirect_dma semaphore(%arg16 : memref<!tpu.dma_semaphore, #tpu.memory_space<semaphore_mem>>) src(%dma_wait3A_244 : memref<8192x2048xf32, #tpu.memory_space<hbm>>) dst(%arg13 : memref<16x2048xf32, #tpu.memory_space<vmem>>)
    %dma_start3A_245 = arith.constant 0 : i32
    %dma_start3A_246 = arith.constant 0 : i32
    %dma_start3A_247 = tpu.memref_slice %arg12[%dma_start3A_245, %dma_start3A_246] : memref<4x16xi32, #tpu.memory_space<vmem>> -> memref<1x16xi32, #tpu.memory_space<vmem>>
    %dma_start3A_248 = tpu.memref_squeeze %dma_start3A_247 : memref<1x16xi32, #tpu.memory_space<vmem>> -> memref<16xi32, #tpu.memory_space<vmem>>
    %dma_start3A_249 = arith.constant 0 : i32
    %dma_start3A_250 = arith.constant 0 : i32
    %dma_start3A_251 = tpu.memref_slice %arg8[%dma_start3A_249, %dma_start3A_250] : memref<5120x2048xf32, #tpu.memory_space<hbm>> -> memref<5120x2048xf32, #tpu.memory_space<hbm>>
    tpu.enqueue_indirect_dma source(%arg13 : memref<16x2048xf32, #tpu.memory_space<vmem>>) target(%dma_start3A_251 : memref<5120x2048xf32, #tpu.memory_space<hbm>>) offsets(%dma_start3A_248 : memref<16xi32, #tpu.memory_space<vmem>>) semaphore(%arg19 : memref<!tpu.dma_semaphore, #tpu.memory_space<semaphore_mem>>)
    %dma_wait3A_252 = arith.constant 5 : i32
    %dma_wait3A_253 = arith.constant 0 : i32
    %dma_wait3A_254 = tpu.memref_slice %arg10[%dma_wait3A_252, %dma_wait3A_253] : memref<6x16xi32, #tpu.memory_space<vmem>> -> memref<1x16xi32, #tpu.memory_space<vmem>>
    %dma_wait3A_255 = tpu.memref_squeeze %dma_wait3A_254 : memref<1x16xi32, #tpu.memory_space<vmem>> -> memref<16xi32, #tpu.memory_space<vmem>>
    %dma_wait3A_256 = arith.constant 0 : i32
    %dma_wait3A_257 = arith.constant 0 : i32
    %dma_wait3A_258 = tpu.memref_slice %arg8[%dma_wait3A_256, %dma_wait3A_257] : memref<5120x2048xf32, #tpu.memory_space<hbm>> -> memref<5120x2048xf32, #tpu.memory_space<hbm>>
    tpu.wait_indirect_dma semaphore(%arg21 : memref<!tpu.dma_semaphore, #tpu.memory_space<semaphore_mem>>) src(%arg15 : memref<16x2048xf32, #tpu.memory_space<vmem>>) dst(%dma_wait3A_258 : memref<5120x2048xf32, #tpu.memory_space<hbm>>)
    %dma_start3A_259 = arith.constant 2 : i32
    %dma_start3A_260 = arith.constant 0 : i32
    %dma_start3A_261 = tpu.memref_slice %arg11[%dma_start3A_259, %dma_start3A_260] : memref<4x16xi32, #tpu.memory_space<vmem>> -> memref<1x16xi32, #tpu.memory_space<vmem>>
    %dma_start3A_262 = tpu.memref_squeeze %dma_start3A_261 : memref<1x16xi32, #tpu.memory_space<vmem>> -> memref<16xi32, #tpu.memory_space<vmem>>
    %dma_start3A_263 = arith.constant 0 : i32
    %dma_start3A_264 = arith.constant 0 : i32
    %dma_start3A_265 = tpu.memref_slice %arg3[%dma_start3A_263, %dma_start3A_264] : memref<8192x2048xf32, #tpu.memory_space<hbm>> -> memref<8192x2048xf32, #tpu.memory_space<hbm>>
    tpu.enqueue_indirect_dma source(%dma_start3A_265 : memref<8192x2048xf32, #tpu.memory_space<hbm>>) target(%arg15 : memref<16x2048xf32, #tpu.memory_space<vmem>>) offsets(%dma_start3A_262 : memref<16xi32, #tpu.memory_space<vmem>>) semaphore(%arg18 : memref<!tpu.dma_semaphore, #tpu.memory_space<semaphore_mem>>)
    %dma_wait3A_266 = arith.constant 1 : i32
    %dma_wait3A_267 = arith.constant 0 : i32
    %dma_wait3A_268 = tpu.memref_slice %arg11[%dma_wait3A_266, %dma_wait3A_267] : memref<4x16xi32, #tpu.memory_space<vmem>> -> memref<1x16xi32, #tpu.memory_space<vmem>>
    %dma_wait3A_269 = tpu.memref_squeeze %dma_wait3A_268 : memref<1x16xi32, #tpu.memory_space<vmem>> -> memref<16xi32, #tpu.memory_space<vmem>>
    %dma_wait3A_270 = arith.constant 0 : i32
    %dma_wait3A_271 = arith.constant 0 : i32
    %dma_wait3A_272 = tpu.memref_slice %arg3[%dma_wait3A_270, %dma_wait3A_271] : memref<8192x2048xf32, #tpu.memory_space<hbm>> -> memref<8192x2048xf32, #tpu.memory_space<hbm>>
    tpu.wait_indirect_dma semaphore(%arg17 : memref<!tpu.dma_semaphore, #tpu.memory_space<semaphore_mem>>) src(%dma_wait3A_272 : memref<8192x2048xf32, #tpu.memory_space<hbm>>) dst(%arg14 : memref<16x2048xf32, #tpu.memory_space<vmem>>)
    %dma_start3A_273 = arith.constant 1 : i32
    %dma_start3A_274 = arith.constant 0 : i32
    %dma_start3A_275 = tpu.memref_slice %arg12[%dma_start3A_273, %dma_start3A_274] : memref<4x16xi32, #tpu.memory_space<vmem>> -> memref<1x16xi32, #tpu.memory_space<vmem>>
    %dma_start3A_276 = tpu.memref_squeeze %dma_start3A_275 : memref<1x16xi32, #tpu.memory_space<vmem>> -> memref<16xi32, #tpu.memory_space<vmem>>
    %dma_start3A_277 = arith.constant 0 : i32
    %dma_start3A_278 = arith.constant 0 : i32
    %dma_start3A_279 = tpu.memref_slice %arg8[%dma_start3A_277, %dma_start3A_278] : memref<5120x2048xf32, #tpu.memory_space<hbm>> -> memref<5120x2048xf32, #tpu.memory_space<hbm>>
    tpu.enqueue_indirect_dma source(%arg14 : memref<16x2048xf32, #tpu.memory_space<vmem>>) target(%dma_start3A_279 : memref<5120x2048xf32, #tpu.memory_space<hbm>>) offsets(%dma_start3A_276 : memref<16xi32, #tpu.memory_space<vmem>>) semaphore(%arg20 : memref<!tpu.dma_semaphore, #tpu.memory_space<semaphore_mem>>)
    %dma_wait3A_280 = arith.constant 0 : i32
    %dma_wait3A_281 = arith.constant 0 : i32
    %dma_wait3A_282 = tpu.memref_slice %arg12[%dma_wait3A_280, %dma_wait3A_281] : memref<4x16xi32, #tpu.memory_space<vmem>> -> memref<1x16xi32, #tpu.memory_space<vmem>>
    %dma_wait3A_283 = tpu.memref_squeeze %dma_wait3A_282 : memref<1x16xi32, #tpu.memory_space<vmem>> -> memref<16xi32, #tpu.memory_space<vmem>>
    %dma_wait3A_284 = arith.constant 0 : i32
    %dma_wait3A_285 = arith.constant 0 : i32
    %dma_wait3A_286 = tpu.memref_slice %arg8[%dma_wait3A_284, %dma_wait3A_285] : memref<5120x2048xf32, #tpu.memory_space<hbm>> -> memref<5120x2048xf32, #tpu.memory_space<hbm>>
    tpu.wait_indirect_dma semaphore(%arg19 : memref<!tpu.dma_semaphore, #tpu.memory_space<semaphore_mem>>) src(%arg13 : memref<16x2048xf32, #tpu.memory_space<vmem>>) dst(%dma_wait3A_286 : memref<5120x2048xf32, #tpu.memory_space<hbm>>)
    %dma_start3A_287 = arith.constant 3 : i32
    %dma_start3A_288 = arith.constant 0 : i32
    %dma_start3A_289 = tpu.memref_slice %arg11[%dma_start3A_287, %dma_start3A_288] : memref<4x16xi32, #tpu.memory_space<vmem>> -> memref<1x16xi32, #tpu.memory_space<vmem>>
    %dma_start3A_290 = tpu.memref_squeeze %dma_start3A_289 : memref<1x16xi32, #tpu.memory_space<vmem>> -> memref<16xi32, #tpu.memory_space<vmem>>
    %dma_start3A_291 = arith.constant 0 : i32
    %dma_start3A_292 = arith.constant 0 : i32
    %dma_start3A_293 = tpu.memref_slice %arg3[%dma_start3A_291, %dma_start3A_292] : memref<8192x2048xf32, #tpu.memory_space<hbm>> -> memref<8192x2048xf32, #tpu.memory_space<hbm>>
    tpu.enqueue_indirect_dma source(%dma_start3A_293 : memref<8192x2048xf32, #tpu.memory_space<hbm>>) target(%arg13 : memref<16x2048xf32, #tpu.memory_space<vmem>>) offsets(%dma_start3A_290 : memref<16xi32, #tpu.memory_space<vmem>>) semaphore(%arg16 : memref<!tpu.dma_semaphore, #tpu.memory_space<semaphore_mem>>)
    %dma_wait3A_294 = arith.constant 2 : i32
    %dma_wait3A_295 = arith.constant 0 : i32
    %dma_wait3A_296 = tpu.memref_slice %arg11[%dma_wait3A_294, %dma_wait3A_295] : memref<4x16xi32, #tpu.memory_space<vmem>> -> memref<1x16xi32, #tpu.memory_space<vmem>>
    %dma_wait3A_297 = tpu.memref_squeeze %dma_wait3A_296 : memref<1x16xi32, #tpu.memory_space<vmem>> -> memref<16xi32, #tpu.memory_space<vmem>>
    %dma_wait3A_298 = arith.constant 0 : i32
    %dma_wait3A_299 = arith.constant 0 : i32
    %dma_wait3A_300 = tpu.memref_slice %arg3[%dma_wait3A_298, %dma_wait3A_299] : memref<8192x2048xf32, #tpu.memory_space<hbm>> -> memref<8192x2048xf32, #tpu.memory_space<hbm>>
    tpu.wait_indirect_dma semaphore(%arg18 : memref<!tpu.dma_semaphore, #tpu.memory_space<semaphore_mem>>) src(%dma_wait3A_300 : memref<8192x2048xf32, #tpu.memory_space<hbm>>) dst(%arg15 : memref<16x2048xf32, #tpu.memory_space<vmem>>)
    %dma_start3A_301 = arith.constant 2 : i32
    %dma_start3A_302 = arith.constant 0 : i32
    %dma_start3A_303 = tpu.memref_slice %arg12[%dma_start3A_301, %dma_start3A_302] : memref<4x16xi32, #tpu.memory_space<vmem>> -> memref<1x16xi32, #tpu.memory_space<vmem>>
    %dma_start3A_304 = tpu.memref_squeeze %dma_start3A_303 : memref<1x16xi32, #tpu.memory_space<vmem>> -> memref<16xi32, #tpu.memory_space<vmem>>
    %dma_start3A_305 = arith.constant 0 : i32
    %dma_start3A_306 = arith.constant 0 : i32
    %dma_start3A_307 = tpu.memref_slice %arg8[%dma_start3A_305, %dma_start3A_306] : memref<5120x2048xf32, #tpu.memory_space<hbm>> -> memref<5120x2048xf32, #tpu.memory_space<hbm>>
    tpu.enqueue_indirect_dma source(%arg15 : memref<16x2048xf32, #tpu.memory_space<vmem>>) target(%dma_start3A_307 : memref<5120x2048xf32, #tpu.memory_space<hbm>>) offsets(%dma_start3A_304 : memref<16xi32, #tpu.memory_space<vmem>>) semaphore(%arg21 : memref<!tpu.dma_semaphore, #tpu.memory_space<semaphore_mem>>)
    %dma_wait3A_308 = arith.constant 3 : i32
    %dma_wait3A_309 = arith.constant 0 : i32
    %dma_wait3A_310 = tpu.memref_slice %arg11[%dma_wait3A_308, %dma_wait3A_309] : memref<4x16xi32, #tpu.memory_space<vmem>> -> memref<1x16xi32, #tpu.memory_space<vmem>>
    %dma_wait3A_311 = tpu.memref_squeeze %dma_wait3A_310 : memref<1x16xi32, #tpu.memory_space<vmem>> -> memref<16xi32, #tpu.memory_space<vmem>>
    %dma_wait3A_312 = arith.constant 0 : i32
    %dma_wait3A_313 = arith.constant 0 : i32
    %dma_wait3A_314 = tpu.memref_slice %arg3[%dma_wait3A_312, %dma_wait3A_313] : memref<8192x2048xf32, #tpu.memory_space<hbm>> -> memref<8192x2048xf32, #tpu.memory_space<hbm>>
    tpu.wait_indirect_dma semaphore(%arg16 : memref<!tpu.dma_semaphore, #tpu.memory_space<semaphore_mem>>) src(%dma_wait3A_314 : memref<8192x2048xf32, #tpu.memory_space<hbm>>) dst(%arg13 : memref<16x2048xf32, #tpu.memory_space<vmem>>)
    %dma_start3A_315 = arith.constant 3 : i32
    %dma_start3A_316 = arith.constant 0 : i32
    %dma_start3A_317 = tpu.memref_slice %arg12[%dma_start3A_315, %dma_start3A_316] : memref<4x16xi32, #tpu.memory_space<vmem>> -> memref<1x16xi32, #tpu.memory_space<vmem>>
    %dma_start3A_318 = tpu.memref_squeeze %dma_start3A_317 : memref<1x16xi32, #tpu.memory_space<vmem>> -> memref<16xi32, #tpu.memory_space<vmem>>
    %dma_start3A_319 = arith.constant 0 : i32
    %dma_start3A_320 = arith.constant 0 : i32
    %dma_start3A_321 = tpu.memref_slice %arg8[%dma_start3A_319, %dma_start3A_320] : memref<5120x2048xf32, #tpu.memory_space<hbm>> -> memref<5120x2048xf32, #tpu.memory_space<hbm>>
    tpu.enqueue_indirect_dma source(%arg13 : memref<16x2048xf32, #tpu.memory_space<vmem>>) target(%dma_start3A_321 : memref<5120x2048xf32, #tpu.memory_space<hbm>>) offsets(%dma_start3A_318 : memref<16xi32, #tpu.memory_space<vmem>>) semaphore(%arg19 : memref<!tpu.dma_semaphore, #tpu.memory_space<semaphore_mem>>)
    %dma_wait3A_322 = arith.constant 1 : i32
    %dma_wait3A_323 = arith.constant 0 : i32
    %dma_wait3A_324 = tpu.memref_slice %arg12[%dma_wait3A_322, %dma_wait3A_323] : memref<4x16xi32, #tpu.memory_space<vmem>> -> memref<1x16xi32, #tpu.memory_space<vmem>>
    %dma_wait3A_325 = tpu.memref_squeeze %dma_wait3A_324 : memref<1x16xi32, #tpu.memory_space<vmem>> -> memref<16xi32, #tpu.memory_space<vmem>>
    %dma_wait3A_326 = arith.constant 0 : i32
    %dma_wait3A_327 = arith.constant 0 : i32
    %dma_wait3A_328 = tpu.memref_slice %arg8[%dma_wait3A_326, %dma_wait3A_327] : memref<5120x2048xf32, #tpu.memory_space<hbm>> -> memref<5120x2048xf32, #tpu.memory_space<hbm>>
    tpu.wait_indirect_dma semaphore(%arg20 : memref<!tpu.dma_semaphore, #tpu.memory_space<semaphore_mem>>) src(%arg14 : memref<16x2048xf32, #tpu.memory_space<vmem>>) dst(%dma_wait3A_328 : memref<5120x2048xf32, #tpu.memory_space<hbm>>)
    %dma_wait3A_329 = arith.constant 2 : i32
    %dma_wait3A_330 = arith.constant 0 : i32
    %dma_wait3A_331 = tpu.memref_slice %arg12[%dma_wait3A_329, %dma_wait3A_330] : memref<4x16xi32, #tpu.memory_space<vmem>> -> memref<1x16xi32, #tpu.memory_space<vmem>>
    %dma_wait3A_332 = tpu.memref_squeeze %dma_wait3A_331 : memref<1x16xi32, #tpu.memory_space<vmem>> -> memref<16xi32, #tpu.memory_space<vmem>>
    %dma_wait3A_333 = arith.constant 0 : i32
    %dma_wait3A_334 = arith.constant 0 : i32
    %dma_wait3A_335 = tpu.memref_slice %arg8[%dma_wait3A_333, %dma_wait3A_334] : memref<5120x2048xf32, #tpu.memory_space<hbm>> -> memref<5120x2048xf32, #tpu.memory_space<hbm>>
    tpu.wait_indirect_dma semaphore(%arg21 : memref<!tpu.dma_semaphore, #tpu.memory_space<semaphore_mem>>) src(%arg15 : memref<16x2048xf32, #tpu.memory_space<vmem>>) dst(%dma_wait3A_335 : memref<5120x2048xf32, #tpu.memory_space<hbm>>)
    %dma_wait3A_336 = arith.constant 3 : i32
    %dma_wait3A_337 = arith.constant 0 : i32
    %dma_wait3A_338 = tpu.memref_slice %arg12[%dma_wait3A_336, %dma_wait3A_337] : memref<4x16xi32, #tpu.memory_space<vmem>> -> memref<1x16xi32, #tpu.memory_space<vmem>>
    %dma_wait3A_339 = tpu.memref_squeeze %dma_wait3A_338 : memref<1x16xi32, #tpu.memory_space<vmem>> -> memref<16xi32, #tpu.memory_space<vmem>>
    %dma_wait3A_340 = arith.constant 0 : i32
    %dma_wait3A_341 = arith.constant 0 : i32
    %dma_wait3A_342 = tpu.memref_slice %arg8[%dma_wait3A_340, %dma_wait3A_341] : memref<5120x2048xf32, #tpu.memory_space<hbm>> -> memref<5120x2048xf32, #tpu.memory_space<hbm>>
    tpu.wait_indirect_dma semaphore(%arg19 : memref<!tpu.dma_semaphore, #tpu.memory_space<semaphore_mem>>) src(%arg13 : memref<16x2048xf32, #tpu.memory_space<vmem>>) dst(%dma_wait3A_342 : memref<5120x2048xf32, #tpu.memory_space<hbm>>)
    return
  }
}

module attributes {stable_mosaic.version = 14 : i64} {
  func.func @_fused_body(%arg0: i32, %arg1: i32, %arg2: memref<1x1x1024x128xf32, #tpu.memory_space<vmem>>, %arg3: memref<1x1x2048x128xf32, #tpu.memory_space<vmem>>, %arg4: memref<1x1536x1xi32, #tpu.memory_space<vmem>>, %arg5: memref<1x1536x1xi32, #tpu.memory_space<vmem>>, %arg6: memref<1x1024x1xi32, #tpu.memory_space<vmem>>, %arg7: memref<1x1024x1xi32, #tpu.memory_space<vmem>>, %arg8: memref<1x2048xf32, #tpu.memory_space<vmem>>) attributes {dimension_semantics = [#tpu.dimension_semantics<parallel>, #tpu.dimension_semantics<arbitrary>], iteration_bounds = array<i64: 2, 9>, scalar_prefetch = 0 : i64, scratch_operands = 1 : i64, tpu.core_type = #tpu.core_type<tc>, window_params = [{transform_indices = @transform_0, window_bounds = array<i64: 1, 1, 1024, 128>}, {transform_indices = @transform_1, window_bounds = array<i64: 1, 1, 2048, 128>}, {transform_indices = @transform_2, window_bounds = array<i64: 1, 1536, 1>}, {transform_indices = @transform_3, window_bounds = array<i64: 1, 1536, 1>}, {transform_indices = @transform_4, window_bounds = array<i64: 1, 1024, 1>}, {transform_indices = @transform_5, window_bounds = array<i64: 1, 1024, 1>}]} {
    %lt3A = arith.constant 8 : i32
    %lt3A_0 = arith.cmpi slt, %arg1, %lt3A : i32
    %convert_element_type3A = arith.extui %lt3A_0 : i1 to i32
    %cond3A = arith.constant 0 : i32
    %cond3A_1 = arith.cmpi ne, %convert_element_type3A, %cond3A : i32
    scf.if %cond3A_1 {
      %get3A = arith.constant 0 : index
      %get3A_6 = arith.constant 0 : index
      %get3A_7 = arith.constant 0 : index
      %get3A_8 = arith.constant 0 : index
      %get3A_9 = vector.load %arg2[%get3A, %get3A_6, %get3A_7, %get3A_8] : memref<1x1x1024x128xf32, #tpu.memory_space<vmem>>, vector<1x1x1024x128xf32>
      %get3A_10 = vector.shape_cast %get3A_9 : vector<1x1x1024x128xf32> to vector<1024x128xf32>
      %get3A_11 = arith.constant 0 : index
      %get3A_12 = arith.constant 0 : index
      %get3A_13 = arith.constant 0 : index
      %get3A_14 = arith.constant 0 : index
      %get3A_15 = vector.load %arg3[%get3A_11, %get3A_12, %get3A_13, %get3A_14] : memref<1x1x2048x128xf32, #tpu.memory_space<vmem>>, vector<1x1x2048x128xf32>
      %get3A_16 = vector.shape_cast %get3A_15 : vector<1x1x2048x128xf32> to vector<2048x128xf32>
      %dot_general3A = arith.constant dense<0.000000e+00> : vector<1024x2048xf32>
      %dot_general3A_17 = tpu.matmul %get3A_10, %get3A_16, %dot_general3A {dimension_numbers = #tpu.dot_dimension_numbers<[1], [1], [0], [0], [0, 0, 1, 0], [], []>, transpose_lhs_hint = false} : vector<1024x128xf32>, vector<2048x128xf32>, vector<1024x2048xf32> -> vector<1024x2048xf32>
      %mul3A = arith.constant 0.0883883461 : f32
      %mul3A_18 = vector.broadcast %mul3A : f32 to vector<1024x2048xf32>
      %mul3A_19 = arith.mulf %dot_general3A_17, %mul3A_18 : vector<1024x2048xf32>
      %exp3A = math.exp %mul3A_19 : vector<1024x2048xf32>
      %reduce_sum3A = arith.constant dense<0.000000e+00> : vector<1024xf32>
      %reduce_sum3A_20 = vector.multi_reduction <add>, %exp3A, %reduce_sum3A [1] : vector<1024x2048xf32> to vector<1024xf32>
      %broadcast_in_dim3A = vector.shape_cast %reduce_sum3A_20 : vector<1024xf32> to vector<1024x1xf32>
      %div3A = arith.constant 1.000000e+00 : f32
      %div3A_21 = vector.broadcast %div3A : f32 to vector<1024x1xf32>
      %div3A_22 = arith.divf %div3A_21, %broadcast_in_dim3A : vector<1024x1xf32>
      %mul3A_23 = vector.broadcast %div3A_22 : vector<1024x1xf32> to vector<1024x2048xf32>
      %mul3A_24 = arith.mulf %exp3A, %mul3A_23 : vector<1024x2048xf32>
      %reduce_sum3A_25 = arith.constant dense<0.000000e+00> : vector<2048xf32>
      %reduce_sum3A_26 = vector.multi_reduction <add>, %mul3A_24, %reduce_sum3A_25 [0] : vector<1024x2048xf32> to vector<2048xf32>
      %broadcast_in_dim3A_27 = vector.shape_cast %reduce_sum3A_26 : vector<2048xf32> to vector<1x2048xf32>
      %eq3A_28 = arith.constant 0 : i32
      %eq3A_29 = arith.cmpi eq, %arg1, %eq3A_28 : i32
      %convert_element_type3A_30 = arith.extui %eq3A_29 : i1 to i32
      %cond3A_31 = arith.constant 0 : i32
      %cond3A_32 = arith.cmpi ne, %convert_element_type3A_30, %cond3A_31 : i32
      scf.if %cond3A_32 {
        %swap3A = arith.constant 0 : index
        %swap3A_37 = arith.constant 0 : index
        %swap3A_38 = vector.load %arg8[%swap3A, %swap3A_37] : memref<1x2048xf32, #tpu.memory_space<vmem>>, vector<1x2048xf32>
        tpu.vector_store %arg8[%swap3A, %swap3A_37], %broadcast_in_dim3A_27 {strides = array<i32>} : memref<1x2048xf32, #tpu.memory_space<vmem>>, vector<1x2048xf32>,
      } else {
      }
      %ne3A = arith.constant 0 : i32
      %ne3A_33 = arith.cmpi ne, %arg1, %ne3A : i32
      %convert_element_type3A_34 = arith.extui %ne3A_33 : i1 to i32
      %cond3A_35 = arith.constant 0 : i32
      %cond3A_36 = arith.cmpi ne, %convert_element_type3A_34, %cond3A_35 : i32
      scf.if %cond3A_36 {
        %get3A_37 = arith.constant 0 : index
        %get3A_38 = arith.constant 0 : index
        %get3A_39 = vector.load %arg8[%get3A_37, %get3A_38] : memref<1x2048xf32, #tpu.memory_space<vmem>>, vector<1x2048xf32>
        %add3A = arith.addf %get3A_39, %broadcast_in_dim3A_27 : vector<1x2048xf32>
        %swap3A = arith.constant 0 : index
        %swap3A_40 = arith.constant 0 : index
        %swap3A_41 = vector.load %arg8[%swap3A, %swap3A_40] : memref<1x2048xf32, #tpu.memory_space<vmem>>, vector<1x2048xf32>
        tpu.vector_store %arg8[%swap3A, %swap3A_40], %add3A {strides = array<i32>} : memref<1x2048xf32, #tpu.memory_space<vmem>>, vector<1x2048xf32>,
      } else {
      }
    } else {
    }
    %eq3A = arith.constant 8 : i32
    %eq3A_2 = arith.cmpi eq, %arg1, %eq3A : i32
    %convert_element_type3A_3 = arith.extui %eq3A_2 : i1 to i32
    %cond3A_4 = arith.constant 0 : i32
    %cond3A_5 = arith.cmpi ne, %convert_element_type3A_3, %cond3A_4 : i32
    scf.if %cond3A_5 {
      %get3A = arith.constant 0 : index
      %get3A_6 = arith.constant 0 : index
      %get3A_7 = vector.load %arg8[%get3A, %get3A_6] : memref<1x2048xf32, #tpu.memory_space<vmem>>, vector<1x2048xf32>
      %iota3A = tpu.iota {dimensions = array<i32: 1>} : vector<1x2048xi32>
      %convert_element_type3A_8 = arith.sitofp %iota3A : vector<1x2048xi32> to vector<1x2048xf32>
      %bitcast_convert_type3A = tpu.bitcast %get3A_7 : vector<1x2048xf32> -> vector<1x2048xi32>
      %scan3A = arith.constant 0 : i32
      %scan3A_9 = arith.constant 0 : i32
      %scan3A_10 = arith.constant 31 : i32
      %scan3A_11 = arith.addi %scan3A_9, %scan3A_10 : i32
      %scan3A_12 = arith.constant 1 : i32
      %scan3A_13 = scf.for %scan3A_180 = %scan3A_9 to %scan3A_11 step %scan3A_12 iter_args(%scan3A_181 = %scan3A) -> (i32)  : i32 {
        %sub3A_182 = arith.constant 30 : i32
        %sub3A_183 = arith.subi %sub3A_182, %scan3A_180 : i32
        %shift_left3A = arith.constant 1 : i32
        %shift_left3A_184 = arith.shli %shift_left3A, %sub3A_183 : i32
        %or3A = arith.ori %scan3A_181, %shift_left3A_184 : i32
        %ge3A = vector.broadcast %or3A : i32 to vector<1x2048xi32>
        %ge3A_185 = arith.cmpi sge, %bitcast_convert_type3A, %ge3A : vector<1x2048xi32>
        %convert_element_type3A_186 = arith.extui %ge3A_185 : vector<1x2048xi1> to vector<1x2048xi32>
        %reduce_sum3A_187 = vector.shape_cast %convert_element_type3A_186 : vector<1x2048xi32> to vector<1x1x2048xi32>
        %reduce_sum3A_188 = arith.constant dense<0> : vector<1xi32>
        %reduce_sum3A_189 = vector.multi_reduction <add>, %reduce_sum3A_187, %reduce_sum3A_188 [1, 2] : vector<1x1x2048xi32> to vector<1xi32>
        %reduce_sum3A_190 = vector.shape_cast %reduce_sum3A_189 : vector<1xi32> to vector<1x1x1xi32>
        %reduce_sum3A_191 = vector.extract %reduce_sum3A_190[0, 0, 0] : i32 from vector<1x1x1xi32>
        %ge3A_192 = arith.constant 512 : i32
        %ge3A_193 = arith.cmpi sge, %reduce_sum3A_191, %ge3A_192 : i32
        %select_n3A = arith.select %ge3A_193, %or3A, %scan3A_181 : i32
        scf.yield %select_n3A : i32
      }
      %scan3A_14 = arith.constant 31 : i32
      %gt3A = vector.broadcast %scan3A_13 : i32 to vector<1x2048xi32>
      %gt3A_15 = arith.cmpi sgt, %bitcast_convert_type3A, %gt3A : vector<1x2048xi32>
      %convert_element_type3A_16 = arith.extui %gt3A_15 : vector<1x2048xi1> to vector<1x2048xi32>
      %convert_element_type3A_17 = arith.sitofp %convert_element_type3A_16 : vector<1x2048xi32> to vector<1x2048xf32>
      %eq3A_18 = vector.broadcast %scan3A_13 : i32 to vector<1x2048xi32>
      %eq3A_19 = arith.cmpi eq, %bitcast_convert_type3A, %eq3A_18 : vector<1x2048xi32>
      %convert_element_type3A_20 = arith.extui %eq3A_19 : vector<1x2048xi1> to vector<1x2048xi32>
      %convert_element_type3A_21 = arith.sitofp %convert_element_type3A_20 : vector<1x2048xi32> to vector<1x2048xf32>
      %reduce_sum3A = vector.shape_cast %convert_element_type3A_17 : vector<1x2048xf32> to vector<1x1x2048xf32>
      %reduce_sum3A_22 = arith.constant dense<0.000000e+00> : vector<1xf32>
      %reduce_sum3A_23 = vector.multi_reduction <add>, %reduce_sum3A, %reduce_sum3A_22 [1, 2] : vector<1x1x2048xf32> to vector<1xf32>
      %reduce_sum3A_24 = vector.shape_cast %reduce_sum3A_23 : vector<1xf32> to vector<1x1x1xf32>
      %reduce_sum3A_25 = vector.extract %reduce_sum3A_24[0, 0, 0] : f32 from vector<1x1x1xf32>
      %sub3A = arith.constant 5.120000e+02 : f32
      %sub3A_26 = arith.subf %sub3A, %reduce_sum3A_25 : f32
      %reshape3A = vector.shape_cast %convert_element_type3A_21 : vector<1x2048xf32> to vector<16x128xf32>
      %iota3A_27 = tpu.iota {dimensions = array<i32: 0>} : vector<128x128xi32>
      %iota3A_28 = tpu.iota {dimensions = array<i32: 1>} : vector<128x128xi32>
      %lt3A_29 = arith.cmpi slt, %iota3A_27, %iota3A_28 : vector<128x128xi32>
      %convert_element_type3A_30 = arith.extui %lt3A_29 : vector<128x128xi1> to vector<128x128xi32>
      %convert_element_type3A_31 = arith.sitofp %convert_element_type3A_30 : vector<128x128xi32> to vector<128x128xf32>
      %dot_general3A = arith.constant dense<0.000000e+00> : vector<16x128xf32>
      %dot_general3A_32 = tpu.matmul %reshape3A, %convert_element_type3A_31, %dot_general3A {dimension_numbers = #tpu.dot_dimension_numbers<[1], [0], [0], [1], [0, 0, 1, 1], [], []>, transpose_lhs_hint = false} : vector<16x128xf32>, vector<128x128xf32>, vector<16x128xf32> -> vector<16x128xf32>
      %reduce_sum3A_33 = arith.constant dense<0.000000e+00> : vector<16xf32>
      %reduce_sum3A_34 = vector.multi_reduction <add>, %reshape3A, %reduce_sum3A_33 [1] : vector<16x128xf32> to vector<16xf32>
      %broadcast_in_dim3A = vector.shape_cast %reduce_sum3A_34 : vector<16xf32> to vector<16x1xf32>
      %iota3A_35 = tpu.iota {dimensions = array<i32: 0>} : vector<16x16xi32>
      %iota3A_36 = tpu.iota {dimensions = array<i32: 1>} : vector<16x16xi32>
      %lt3A_37 = arith.cmpi slt, %iota3A_36, %iota3A_35 : vector<16x16xi32>
      %convert_element_type3A_38 = arith.extui %lt3A_37 : vector<16x16xi1> to vector<16x16xi32>
      %convert_element_type3A_39 = arith.sitofp %convert_element_type3A_38 : vector<16x16xi32> to vector<16x16xf32>
      %dot_general3A_40 = arith.constant dense<0.000000e+00> : vector<16x1xf32>
      %dot_general3A_41 = tpu.matmul %convert_element_type3A_39, %broadcast_in_dim3A, %dot_general3A_40 {dimension_numbers = #tpu.dot_dimension_numbers<[1], [0], [0], [1], [0, 0, 1, 1], [], []>, transpose_lhs_hint = false} : vector<16x16xf32>, vector<16x1xf32>, vector<16x1xf32> -> vector<16x1xf32>
      %add3A = vector.broadcast %dot_general3A_41 : vector<16x1xf32> to vector<16x128xf32>
      %add3A_42 = arith.addf %dot_general3A_32, %add3A : vector<16x128xf32>
      %reshape3A_43 = vector.shape_cast %add3A_42 : vector<16x128xf32> to vector<1x2048xf32>
      %lt3A_44 = vector.broadcast %sub3A_26 : f32 to vector<1x2048xf32>
      %lt3A_45 = arith.cmpf olt, %reshape3A_43, %lt3A_44 : vector<1x2048xf32>
      %convert_element_type3A_46 = arith.extui %lt3A_45 : vector<1x2048xi1> to vector<1x2048xi32>
      %convert_element_type3A_47 = arith.sitofp %convert_element_type3A_46 : vector<1x2048xi32> to vector<1x2048xf32>
      %mul3A = arith.mulf %convert_element_type3A_21, %convert_element_type3A_47 : vector<1x2048xf32>
      %add3A_48 = arith.addf %convert_element_type3A_17, %mul3A : vector<1x2048xf32>
      %reshape3A_49 = vector.shape_cast %add3A_48 : vector<1x2048xf32> to vector<16x128xf32>
      %iota3A_50 = tpu.iota {dimensions = array<i32: 0>} : vector<128x128xi32>
      %iota3A_51 = tpu.iota {dimensions = array<i32: 1>} : vector<128x128xi32>
      %lt3A_52 = arith.cmpi slt, %iota3A_50, %iota3A_51 : vector<128x128xi32>
      %convert_element_type3A_53 = arith.extui %lt3A_52 : vector<128x128xi1> to vector<128x128xi32>
      %convert_element_type3A_54 = arith.sitofp %convert_element_type3A_53 : vector<128x128xi32> to vector<128x128xf32>
      %dot_general3A_55 = arith.constant dense<0.000000e+00> : vector<16x128xf32>
      %dot_general3A_56 = tpu.matmul %reshape3A_49, %convert_element_type3A_54, %dot_general3A_55 {dimension_numbers = #tpu.dot_dimension_numbers<[1], [0], [0], [1], [0, 0, 1, 1], [], []>, transpose_lhs_hint = false} : vector<16x128xf32>, vector<128x128xf32>, vector<16x128xf32> -> vector<16x128xf32>
      %reduce_sum3A_57 = arith.constant dense<0.000000e+00> : vector<16xf32>
      %reduce_sum3A_58 = vector.multi_reduction <add>, %reshape3A_49, %reduce_sum3A_57 [1] : vector<16x128xf32> to vector<16xf32>
      %broadcast_in_dim3A_59 = vector.shape_cast %reduce_sum3A_58 : vector<16xf32> to vector<16x1xf32>
      %iota3A_60 = tpu.iota {dimensions = array<i32: 0>} : vector<16x16xi32>
      %iota3A_61 = tpu.iota {dimensions = array<i32: 1>} : vector<16x16xi32>
      %lt3A_62 = arith.cmpi slt, %iota3A_61, %iota3A_60 : vector<16x16xi32>
      %convert_element_type3A_63 = arith.extui %lt3A_62 : vector<16x16xi1> to vector<16x16xi32>
      %convert_element_type3A_64 = arith.sitofp %convert_element_type3A_63 : vector<16x16xi32> to vector<16x16xf32>
      %dot_general3A_65 = arith.constant dense<0.000000e+00> : vector<16x1xf32>
      %dot_general3A_66 = tpu.matmul %convert_element_type3A_64, %broadcast_in_dim3A_59, %dot_general3A_65 {dimension_numbers = #tpu.dot_dimension_numbers<[1], [0], [0], [1], [0, 0, 1, 1], [], []>, transpose_lhs_hint = false} : vector<16x16xf32>, vector<16x1xf32>, vector<16x1xf32> -> vector<16x1xf32>
      %add3A_67 = vector.broadcast %dot_general3A_66 : vector<16x1xf32> to vector<16x128xf32>
      %add3A_68 = arith.addf %dot_general3A_56, %add3A_67 : vector<16x128xf32>
      %reshape3A_69 = vector.shape_cast %add3A_68 : vector<16x128xf32> to vector<1x2048xf32>
      %add3A_70 = arith.addf %convert_element_type3A_8, %reshape3A_69 : vector<1x2048xf32>
      %mul3A_71 = arith.constant 2560 : i32
      %mul3A_72 = arith.muli %arg0, %mul3A_71 : i32
      %convert_element_type3A_73 = arith.sitofp %mul3A_72 : i32 to f32
      %iota3A_74 = tpu.iota {dimensions = array<i32: 0>} : vector<512x1xi32>
      %convert_element_type3A_75 = arith.sitofp %iota3A_74 : vector<512x1xi32> to vector<512x1xf32>
      %eq3A_76 = vector.broadcast %reshape3A_69 : vector<1x2048xf32> to vector<512x2048xf32>
      %eq3A_77 = vector.broadcast %convert_element_type3A_75 : vector<512x1xf32> to vector<512x2048xf32>
      %eq3A_78 = arith.cmpf oeq, %eq3A_76, %eq3A_77 : vector<512x2048xf32>
      %convert_element_type3A_79 = arith.extui %eq3A_78 : vector<512x2048xi1> to vector<512x2048xi32>
      %convert_element_type3A_80 = arith.sitofp %convert_element_type3A_79 : vector<512x2048xi32> to vector<512x2048xf32>
      %mul3A_81 = vector.broadcast %add3A_48 : vector<1x2048xf32> to vector<512x2048xf32>
      %mul3A_82 = arith.mulf %mul3A_81, %convert_element_type3A_80 : vector<512x2048xf32>
      %mul3A_83 = vector.broadcast %convert_element_type3A_8 : vector<1x2048xf32> to vector<512x2048xf32>
      %mul3A_84 = arith.mulf %mul3A_82, %mul3A_83 : vector<512x2048xf32>
      %reduce_sum3A_85 = arith.constant dense<0.000000e+00> : vector<512xf32>
      %reduce_sum3A_86 = vector.multi_reduction <add>, %mul3A_84, %reduce_sum3A_85 [1] : vector<512x2048xf32> to vector<512xf32>
      %broadcast_in_dim3A_87 = vector.shape_cast %reduce_sum3A_86 : vector<512xf32> to vector<512x1xf32>
      %mul3A_88 = vector.broadcast %add3A_70 : vector<1x2048xf32> to vector<512x2048xf32>
      %mul3A_89 = arith.mulf %mul3A_82, %mul3A_88 : vector<512x2048xf32>
      %reduce_sum3A_90 = arith.constant dense<0.000000e+00> : vector<512xf32>
      %reduce_sum3A_91 = vector.multi_reduction <add>, %mul3A_89, %reduce_sum3A_90 [1] : vector<512x2048xf32> to vector<512xf32>
      %broadcast_in_dim3A_92 = vector.shape_cast %reduce_sum3A_91 : vector<512xf32> to vector<512x1xf32>
      %iota3A_93 = tpu.iota {dimensions = array<i32: 0>} : vector<1536x1xi32>
      %convert_element_type3A_94 = arith.sitofp %iota3A_93 : vector<1536x1xi32> to vector<1536x1xf32>
      %sub3A_95 = arith.constant 1.000000e+00 : f32
      %sub3A_96 = vector.broadcast %sub3A_95 : f32 to vector<1x2048xf32>
      %sub3A_97 = arith.subf %sub3A_96, %add3A_48 : vector<1x2048xf32>
      %sub3A_98 = arith.subf %convert_element_type3A_8, %reshape3A_69 : vector<1x2048xf32>
      %eq3A_99 = vector.broadcast %sub3A_98 : vector<1x2048xf32> to vector<1536x2048xf32>
      %eq3A_100 = vector.broadcast %convert_element_type3A_94 : vector<1536x1xf32> to vector<1536x2048xf32>
      %eq3A_101 = arith.cmpf oeq, %eq3A_99, %eq3A_100 : vector<1536x2048xf32>
      %convert_element_type3A_102 = arith.extui %eq3A_101 : vector<1536x2048xi1> to vector<1536x2048xi32>
      %convert_element_type3A_103 = arith.sitofp %convert_element_type3A_102 : vector<1536x2048xi32> to vector<1536x2048xf32>
      %mul3A_104 = vector.broadcast %sub3A_97 : vector<1x2048xf32> to vector<1536x2048xf32>
      %mul3A_105 = arith.mulf %mul3A_104, %convert_element_type3A_103 : vector<1536x2048xf32>
      %mul3A_106 = vector.broadcast %convert_element_type3A_8 : vector<1x2048xf32> to vector<1536x2048xf32>
      %mul3A_107 = arith.mulf %mul3A_105, %mul3A_106 : vector<1536x2048xf32>
      %reduce_sum3A_108 = arith.constant dense<0.000000e+00> : vector<1536xf32>
      %reduce_sum3A_109 = vector.multi_reduction <add>, %mul3A_107, %reduce_sum3A_108 [1] : vector<1536x2048xf32> to vector<1536xf32>
      %broadcast_in_dim3A_110 = vector.shape_cast %reduce_sum3A_109 : vector<1536xf32> to vector<1536x1xf32>
      %add3A_111 = vector.broadcast %convert_element_type3A_73 : f32 to vector<1x2048xf32>
      %add3A_112 = arith.addf %add3A_70, %add3A_111 : vector<1x2048xf32>
      %mul3A_113 = vector.broadcast %add3A_112 : vector<1x2048xf32> to vector<1536x2048xf32>
      %mul3A_114 = arith.mulf %mul3A_105, %mul3A_113 : vector<1536x2048xf32>
      %reduce_sum3A_115 = arith.constant dense<0.000000e+00> : vector<1536xf32>
      %reduce_sum3A_116 = vector.multi_reduction <add>, %mul3A_114, %reduce_sum3A_115 [1] : vector<1536x2048xf32> to vector<1536xf32>
      %broadcast_in_dim3A_117 = vector.shape_cast %reduce_sum3A_116 : vector<1536xf32> to vector<1536x1xf32>
      %mul3A_118 = arith.constant 2048 : i32
      %mul3A_119 = arith.muli %arg0, %mul3A_118 : i32
      %convert_element_type3A_120 = arith.sitofp %mul3A_119 : i32 to f32
      %add3A_121 = vector.broadcast %convert_element_type3A_120 : f32 to vector<1536x1xf32>
      %add3A_122 = arith.addf %broadcast_in_dim3A_110, %add3A_121 : vector<1536x1xf32>
      %convert_element_type3A_123 = arith.fptosi %add3A_122 : vector<1536x1xf32> to vector<1536x1xi32>
      %swap3A = arith.constant 0 : index
      %swap3A_124 = arith.constant 0 : index
      %swap3A_125 = arith.constant 0 : index
      %swap3A_126 = vector.load %arg4[%swap3A, %swap3A_124, %swap3A_125] : memref<1x1536x1xi32, #tpu.memory_space<vmem>>, vector<1x1536x1xi32>
      %swap3A_127 = vector.shape_cast %swap3A_126 : vector<1x1536x1xi32> to vector<1536x1xi32>
      %swap3A_128 = vector.shape_cast %convert_element_type3A_123 : vector<1536x1xi32> to vector<1x1536x1xi32>
      tpu.vector_store %arg4[%swap3A, %swap3A_124, %swap3A_125], %swap3A_128 {strides = array<i32>} : memref<1x1536x1xi32, #tpu.memory_space<vmem>>, vector<1x1536x1xi32>,
      %convert_element_type3A_129 = arith.fptosi %broadcast_in_dim3A_117 : vector<1536x1xf32> to vector<1536x1xi32>
      %swap3A_130 = arith.constant 0 : index
      %swap3A_131 = arith.constant 0 : index
      %swap3A_132 = arith.constant 0 : index
      %swap3A_133 = vector.load %arg5[%swap3A_130, %swap3A_131, %swap3A_132] : memref<1x1536x1xi32, #tpu.memory_space<vmem>>, vector<1x1536x1xi32>
      %swap3A_134 = vector.shape_cast %swap3A_133 : vector<1x1536x1xi32> to vector<1536x1xi32>
      %swap3A_135 = vector.shape_cast %convert_element_type3A_129 : vector<1536x1xi32> to vector<1x1536x1xi32>
      tpu.vector_store %arg5[%swap3A_130, %swap3A_131, %swap3A_132], %swap3A_135 {strides = array<i32>} : memref<1x1536x1xi32, #tpu.memory_space<vmem>>, vector<1x1536x1xi32>,
      %mul3A_136 = arith.constant 2.000000e+00 : f32
      %mul3A_137 = vector.broadcast %mul3A_136 : f32 to vector<512x1xf32>
      %mul3A_138 = arith.mulf %mul3A_137, %broadcast_in_dim3A_87 : vector<512x1xf32>
      %mul3A_139 = arith.constant 4096 : i32
      %mul3A_140 = arith.muli %arg0, %mul3A_139 : i32
      %convert_element_type3A_141 = arith.sitofp %mul3A_140 : i32 to f32
      %add3A_142 = vector.broadcast %convert_element_type3A_141 : f32 to vector<512x1xf32>
      %add3A_143 = arith.addf %mul3A_138, %add3A_142 : vector<512x1xf32>
      %add3A_144 = vector.broadcast %convert_element_type3A_73 : f32 to vector<512x1xf32>
      %add3A_145 = arith.addf %broadcast_in_dim3A_92, %add3A_144 : vector<512x1xf32>
      %convert_element_type3A_146 = arith.fptosi %add3A_143 : vector<512x1xf32> to vector<512x1xi32>
      %swap3A_147 = arith.constant 0 : index
      %swap3A_148 = arith.constant 0 : index
      %swap3A_149 = arith.constant 0 : index
      %swap3A_150 = vector.load %arg6[%swap3A_147, %swap3A_148, %swap3A_149] : memref<1x1024x1xi32, #tpu.memory_space<vmem>>, vector<1x512x1xi32>
      %swap3A_151 = vector.shape_cast %swap3A_150 : vector<1x512x1xi32> to vector<512x1xi32>
      %swap3A_152 = vector.shape_cast %convert_element_type3A_146 : vector<512x1xi32> to vector<1x512x1xi32>
      tpu.vector_store %arg6[%swap3A_147, %swap3A_148, %swap3A_149], %swap3A_152 {strides = array<i32>} : memref<1x1024x1xi32, #tpu.memory_space<vmem>>, vector<1x512x1xi32>,
      %add3A_153 = arith.constant 1.000000e+00 : f32
      %add3A_154 = vector.broadcast %add3A_153 : f32 to vector<512x1xf32>
      %add3A_155 = arith.addf %add3A_143, %add3A_154 : vector<512x1xf32>
      %convert_element_type3A_156 = arith.fptosi %add3A_155 : vector<512x1xf32> to vector<512x1xi32>
      %swap3A_157 = arith.constant 0 : index
      %swap3A_158 = arith.constant 512 : index
      %swap3A_159 = arith.constant 0 : index
      %swap3A_160 = vector.load %arg6[%swap3A_157, %swap3A_158, %swap3A_159] : memref<1x1024x1xi32, #tpu.memory_space<vmem>>, vector<1x512x1xi32>
      %swap3A_161 = vector.shape_cast %swap3A_160 : vector<1x512x1xi32> to vector<512x1xi32>
      %swap3A_162 = vector.shape_cast %convert_element_type3A_156 : vector<512x1xi32> to vector<1x512x1xi32>
      tpu.vector_store %arg6[%swap3A_157, %swap3A_158, %swap3A_159], %swap3A_162 {strides = array<i32>} : memref<1x1024x1xi32, #tpu.memory_space<vmem>>, vector<1x512x1xi32>,
      %convert_element_type3A_163 = arith.fptosi %add3A_145 : vector<512x1xf32> to vector<512x1xi32>
      %swap3A_164 = arith.constant 0 : index
      %swap3A_165 = arith.constant 0 : index
      %swap3A_166 = arith.constant 0 : index
      %swap3A_167 = vector.load %arg7[%swap3A_164, %swap3A_165, %swap3A_166] : memref<1x1024x1xi32, #tpu.memory_space<vmem>>, vector<1x512x1xi32>
      %swap3A_168 = vector.shape_cast %swap3A_167 : vector<1x512x1xi32> to vector<512x1xi32>
      %swap3A_169 = vector.shape_cast %convert_element_type3A_163 : vector<512x1xi32> to vector<1x512x1xi32>
      tpu.vector_store %arg7[%swap3A_164, %swap3A_165, %swap3A_166], %swap3A_169 {strides = array<i32>} : memref<1x1024x1xi32, #tpu.memory_space<vmem>>, vector<1x512x1xi32>,
      %add3A_170 = arith.constant 1.000000e+00 : f32
      %add3A_171 = vector.broadcast %add3A_170 : f32 to vector<512x1xf32>
      %add3A_172 = arith.addf %add3A_145, %add3A_171 : vector<512x1xf32>
      %convert_element_type3A_173 = arith.fptosi %add3A_172 : vector<512x1xf32> to vector<512x1xi32>
      %swap3A_174 = arith.constant 0 : index
      %swap3A_175 = arith.constant 512 : index
      %swap3A_176 = arith.constant 0 : index
      %swap3A_177 = vector.load %arg7[%swap3A_174, %swap3A_175, %swap3A_176] : memref<1x1024x1xi32, #tpu.memory_space<vmem>>, vector<1x512x1xi32>
      %swap3A_178 = vector.shape_cast %swap3A_177 : vector<1x512x1xi32> to vector<512x1xi32>
      %swap3A_179 = vector.shape_cast %convert_element_type3A_173 : vector<512x1xi32> to vector<1x512x1xi32>
      tpu.vector_store %arg7[%swap3A_174, %swap3A_175, %swap3A_176], %swap3A_179 {strides = array<i32>} : memref<1x1024x1xi32, #tpu.memory_space<vmem>>, vector<1x512x1xi32>,
    } else {
    }
    return
  }
  func.func @transform_0(%arg0: i32, %arg1: i32) -> (i32, i32, i32, i32) {
    %min3A = arith.constant 7 : i32
    %min3A_0 = arith.minsi %arg1, %min3A : i32
    %c0_i32 = arith.constant 0 : i32
    %c0_i32_1 = arith.constant 0 : i32
    %c0_i32_2 = arith.constant 0 : i32
    return %arg0, %min3A_0, %c0_i32, %c0_i32_1 : i32, i32, i32, i32
  }
  func.func @transform_1(%arg0: i32, %arg1: i32) -> (i32, i32, i32, i32) {
    %min3A = arith.constant 7 : i32
    %min3A_0 = arith.minsi %arg1, %min3A : i32
    %c0_i32 = arith.constant 0 : i32
    %c0_i32_1 = arith.constant 0 : i32
    %c0_i32_2 = arith.constant 0 : i32
    return %arg0, %min3A_0, %c0_i32, %c0_i32_1 : i32, i32, i32, i32
  }
  func.func @transform_2(%arg0: i32, %arg1: i32) -> (i32, i32, i32) {
    %c0_i32 = arith.constant 0 : i32
    %c0_i32_0 = arith.constant 0 : i32
    %c0_i32_1 = arith.constant 0 : i32
    return %arg0, %c0_i32, %c0_i32_0 : i32, i32, i32
  }
  func.func @transform_3(%arg0: i32, %arg1: i32) -> (i32, i32, i32) {
    %c0_i32 = arith.constant 0 : i32
    %c0_i32_0 = arith.constant 0 : i32
    %c0_i32_1 = arith.constant 0 : i32
    return %arg0, %c0_i32, %c0_i32_0 : i32, i32, i32
  }
  func.func @transform_4(%arg0: i32, %arg1: i32) -> (i32, i32, i32) {
    %c0_i32 = arith.constant 0 : i32
    %c0_i32_0 = arith.constant 0 : i32
    %c0_i32_1 = arith.constant 0 : i32
    return %arg0, %c0_i32, %c0_i32_0 : i32, i32, i32
  }
  func.func @transform_5(%arg0: i32, %arg1: i32) -> (i32, i32, i32) {
    %c0_i32 = arith.constant 0 : i32
    %c0_i32_0 = arith.constant 0 : i32
    %c0_i32_1 = arith.constant 0 : i32
    return %arg0, %c0_i32, %c0_i32_0 : i32, i32, i32
  }
}

</mosaic_0001>

<sc_bundles>
// kernel: kernel.4.cloned.1.call-start
scs
__scs_entry_jumppad:
0x0: {  	(pc) =	sbr.rel $0x88, $3  }
0x1: {  	(tag) =	ssettag $0x0;
	lr =	simm.s32 $0x1  }
0x2: {  	[smem:$0x3F9D] =	sst lr;
	_ =	strace $0xD0000000  }
0x3: {  	_ = 	snop  }
0x4: {  	_ = 	snop  }
0x5: {  	_ = 	snop  }
0x6: {  	_ = 	snop  }
0x7: {  	_ = 	snop  }
__scs_overlays_trampoline_lowered:
0x8: {  	[smem:$0x3FAC] =	sst s0  }
0x9: {  	[smem:$0x3FAD] =	sst s1  }
0xa: {  	[smem:$0x3FAE] =	sst s2  }
0xb: {  	[smem:$0x3FAF] =	sst s3  }
0xc: {  	[smem:$0x3FB0] =	sst s4  }
0xd: {  	[smem:$0x3FB1] =	sst s5  }
0xe: {  	[smem:$0x3FB2] =	sst s6  }
0xf: {  	[smem:$0x3FB3] =	sst s7  }
0x10: {  	[smem:$0x3FB4] =	sst s8  }
0x11: {  	[smem:$0x3FB5] =	sst s9;
	s0 =	simm.s32 @!p0 $0x0  }
0x12: {  	s1 =	sld [smem:$0x3F9B];
	s0 =	simm.s32 @p0 $0x1  }
0x13: {  	[smem:$0x3FB6] =	sst s0;
	s0 =	simm.s32 @!p1 $0x0  }
0x14: {  	s2 =	sld [smem:$0x3F9A];
	s0 =	simm.s32 @p1 $0x1  }
0x15: {  	[smem:$0x3FB7] =	sst s0;
	s0 =	simm.s32 @!p2 $0x0  }
0x16: {  	s3 =	sld [smem:$0x3FDB];
	s0 =	simm.s32 @p2 $0x1  }
0x17: {  	s4 =	simm.s32 $0x1BF5;
	[smem:$0x3FB9] =	sst s0  }
0x18: {  	s0 =	sld [smem:$0x3F9C];
	_ =	swait.ge [sflag:s4], $0x0  }
0x19: {  	s7 =	sld [smem:$0x3F9D]  }
0x1a: {  	s8 =	sadd.s32 $0xFFFFE003, lr  }
0x1b: {  	s9 =	sadd.s32 $0xFFFFFEF7, lr;
	s5 =	simm.s32 $0xFFFFFFFF;
	p2 =	slt.u32 s8, $0xFFFFF086  }
0x1c: {  	p1 =	slt.u32 s9, $0xF7A;
	s5 =	simm.s32 @!p2 $0x0  }
0x1d: {  	s5 =	simm.s32 @p1 $0x1;
	p0 =	seq.s32 s7, s2  }
0x1e: {  	s7 =	smul.u32 @!p0 $0xF7A, s2;
	p2 =	seq.s32 @!p0 s5, $0x0  }
0x1f: {  	s9 =	smul.u32 $0xF7A, s1;
	s8 =	simm.s32 @!p0 $0x1BF5;
	p2 =	por !p2, p0  }
0x20: {  	[sflag:s8] =	ssyncset.s32 @!p0 $0xFFFFF086;
	s6 =	sadd.s32 @!p0 s3, s7;
	s7 =	simm.s32 @!p0 $0x108  }
0x21: {  	s3 =	sadd.s32 s3, s9;
	s6 =	sadd.s32 @!p0 $0x88, s6;
	s7 =	simm.s32 @p2 $0x1082  }
0x22: {  	[simem:s7], [sflag:s8] =	dma.local @!p0 [hbm:s6], $0xF7A  }
0x23: {  	s9 =	sor.u32 $0xD0000000, s2;
	s6 =	simm.s32 $0x108;
	_ =	swait.ge @!p0 [sflag:s8], $0x0  }
0x24: {  	s3 =	sadd.s32 $0x88, s3;
	s6 =	simm.s32 @!p1 $0x1082;
	[sflag:s4] =	ssyncset.s32 $0xFFFFF086  }
0x25: {  	[simem:s6], [sflag:s4] =	dma.local [hbm:s3], $0xF7A  }
0x26: {  	[smem:$0x3F9D] =	sst s1;
	(tag) =	ssettag s2;
	_ =	strace s9  }
0x27: {  	s1 =	sld [smem:$0x3FAD]  }
0x28: {  	s2 =	sld [smem:$0x3FAE]  }
0x29: {  	s4 =	sld [smem:$0x3FB0]  }
0x2a: {  	p0 =	seq.s32 s5, $0x0;
	s5 =	sld [smem:$0x3FB1]  }
0x2b: {  	s6 =	sld [smem:$0x3FB2]  }
0x2c: {  	s7 =	sld [smem:$0x3FB3]  }
0x2d: {  	s3 =	simm.s32 $0x108;
	s8 =	sld [smem:$0x3FB4]  }
0x2e: {  	s3 =	simm.s32 @!p0 $0x1082;
	s9 =	sld [smem:$0x3FB5]  }
0x2f: {  	lr =	sadd.s32 s0, s3;
	s0 =	sld [smem:$0x3FAC]  }
0x30: {  	s3 =	sld [smem:$0x3FAF]  }
0x31: {  	[smem:$0x3FB8] =	sst s10  }
0x32: {  	s10 =	sld [smem:$0x3FB6];
	_ =	sdelay $0x3  }
0x33: {  	p0 =	seq.s32 s10, $0x1;
	s10 =	sld [smem:$0x3FB8];
	_ =	sdelay $0x3  }
0x34: {  	[smem:$0x3FB8] =	sst s10  }
0x35: {  	s10 =	sld [smem:$0x3FB7];
	_ =	sdelay $0x3  }
0x36: {  	p1 =	seq.s32 s10, $0x1;
	s10 =	sld [smem:$0x3FB8];
	_ =	sdelay $0x3  }
0x37: {  	[smem:$0x3FB8] =	sst s10  }
0x38: {  	s10 =	sld [smem:$0x3FB9]  }
0x39: {  	_ = 	snop;
	(pc) =	sbr.ind lr, $3  }
0x3a: {  	_ = 	snop  }
0x3b: {  	_ = 	snop  }
0x3c: {  	p2 =	seq.s32 s10, $0x1;
	s10 =	sld [smem:$0x3FB8]  }
0x3d: {  	_ =	shalt  }
0x3e: {  	_ =	shalt  }
0x3f: {  	_ =	shalt  }
0x40: {  	_ =	shalt  }
0x41: {  	_ =	shalt  }
0x42: {  	_ =	shalt  }
0x43: {  	_ =	shalt  }
0x44: {  	_ =	shalt  }
0x45: {  	_ =	shalt  }
0x46: {  	_ =	shalt  }
0x47: {  	_ =	shalt  }
0x48: {  	_ =	shalt  }
0x49: {  	_ =	shalt  }
0x4a: {  	_ =	shalt  }
0x4b: {  	_ =	shalt  }
0x4c: {  	_ =	shalt  }
0x4d: {  	_ =	shalt  }
0x4e: {  	_ =	shalt  }
0x4f: {  	_ =	shalt  }
0x50: {  	_ =	shalt  }
0x51: {  	_ =	shalt  }
0x52: {  	_ =	shalt  }
0x53: {  	_ =	shalt  }
0x54: {  	_ =	shalt  }
0x55: {  	_ =	shalt  }
0x56: {  	_ =	shalt  }
0x57: {  	_ =	shalt  }
0x58: {  	_ =	shalt  }
0x59: {  	_ =	shalt  }
0x5a: {  	_ =	shalt  }
0x5b: {  	_ =	shalt  }
0x5c: {  	_ =	shalt  }
0x5d: {  	_ =	shalt  }
0x5e: {  	_ =	shalt  }
0x5f: {  	_ =	shalt  }
0x60: {  	_ =	shalt  }
0x61: {  	_ =	shalt  }
0x62: {  	_ =	shalt  }
0x63: {  	_ =	shalt  }
0x64: {  	_ =	shalt  }
0x65: {  	_ =	shalt  }
0x66: {  	_ =	shalt  }
0x67: {  	_ =	shalt  }
0x68: {  	_ =	shalt  }
0x69: {  	_ =	shalt  }
0x6a: {  	_ =	shalt  }
0x6b: {  	_ =	shalt  }
0x6c: {  	_ =	shalt  }
0x6d: {  	_ =	shalt  }
0x6e: {  	_ =	shalt  }
0x6f: {  	_ =	shalt  }
0x70: {  	_ =	shalt  }
0x71: {  	_ =	shalt  }
0x72: {  	_ =	shalt  }
0x73: {  	_ =	shalt  }
0x74: {  	_ =	shalt  }
0x75: {  	_ =	shalt  }
0x76: {  	_ =	shalt  }
0x77: {  	_ =	shalt  }
0x78: {  	_ =	shalt  }
0x79: {  	_ =	shalt  }
0x7a: {  	_ =	shalt  }
0x7b: {  	_ =	shalt  }
0x7c: {  	_ =	shalt  }
0x7d: {  	_ =	shalt  }
0x7e: {  	_ =	shalt  }
0x7f: {  	_ =	shalt  }
0x80: {  	_ =	shalt  }
0x81: {  	_ =	shalt  }
0x82: {  	_ =	shalt  }
0x83: {  	_ =	shalt  }
0x84: {  	_ =	shalt  }
0x85: {  	_ =	shalt  }
0x86: {  	_ =	shalt  }
0x87: {  	_ =	shalt  }
.Lfunc_end0:
.L_simem_size_0:
called_computation_lowered:
.L_overlay_start_0:
0x88: {  	s2 =	sld [smem:$0x3FD9]  }
0x89: {  	s3 =	sld [smem:$0x3FFE];
	_ =	sdelay $0x1  }
0x8a: {  	s1 =	srdreg.scid  }
0x8b: {  	s0 =	sand.u32 $0x1, s1  }
0x8c: {  	s17 =	sshll.u32 s0, $0xA;
	s2 =	sadd.s32 s3, s2  }
0x8d: {  	s2 =	sadd.s32 s2, s17  }
0x8e: {  	[smem:$0x3FC4] =	sst s2  }
0x8f: {  	_ = 	snop  }
0x90: {  	s2 =	sld [smem:$0x3FC9]  }
0x91: {  	s18 =	sld [smem:$0x3FC8]  }
0x92: {  	s4 =	sld [smem:$0x3FD0];
	(tm) =	ssettm $0x1  }
0x93: {  	s5 =	sld [smem:$0x3FFB];
	_ =	sdelay $0x3  }
0x94: {  	_ =	strace s5  }
0x95: {  	s5 =	sld [smem:$0x3FFC];
	_ =	sdelay $0x3  }
0x96: {  	_ =	strace s5  }
0x97: {  	s5 =	sld [smem:$0x3FFD];
	_ =	sdelay $0x3  }
0x98: {  	_ =	strace s5  }
0x99: {  	_ =	strace $0x8FFFFFFF  }
0x9a: {  	s19 =	sld [smem:$0x3FDB];
	_ =	sdelay $0x1  }
0x9b: {  	s6 =	simm.s32 $_scs_section_size  }
0x9c: {  	s7 =	simm.s32 $_size__tile_overlayer_lowered;
	s8 =	simm.s32 $_tile_overlayer_lowered  }
0x9d: {  	s22 =	simm.s32 $0x1BFF;
	s21 =	sshll.u32 s8, $0x1;
	s5 =	sadd.s32 s6, s19  }
0x9e: {  	s9 =	simm.s32 $0x0;
	s20 =	sshll.u32 s7, $0x1;
	s7 =	sadd.s32 s21, s5  }
0x9f: {  	[timem:s9], [sflag:s22] =	dma.local [hbm:s7], s20  }
0xa0: {  	_ =	swait.ge [sflag:s22], s20  }
0xa1: {  	s6 =	ssub.s32 $0x0, s20;
	[sflag:s22] =	ssyncset.done $0x0  }
0xa2: {  	[sflag:s22] =	ssyncadd.s32 s6;
	_ =	sdelay $0x1  }
0xa3: {  	s23 =	simm.s32 $0x1B8B  }
0xa4: {  	_ =	swait.ge [sflag:s23], $0x1  }
0xa5: {  	[sflag:s23] =	ssyncset.done $0x0  }
0xa6: {  	s25 =	simm.s32 $0x1B8E;
	s24 =	sld [smem:$0x3FFE];
	[sflag:s23] =	ssyncadd.s32 $0xFFFFFFFF  }
0xa7: {  	s26 =	simm.s32 $execute0_lowered;
	[smem:$0x3FD2] =	sst s25  }
0xa8: {  	s7 =	sshll.u32 s26, $0x1;
	_ =	strace $0x80000046;
	[dreg:$0x1] =	wrdreg $0xFFFFFFFF  }
0xa9: {  	s28 =	simm.s32 $_size_execute0_lowered;
	s5 =	sadd.s32 s5, s7;
	[dreg:$0x0] =	wrdreg $0x0  }
0xaa: {  	s7 =	sshll.u32 s28, $0x1;
	[dreg:$0x2] =	wrdreg s5  }
0xab: {  	[dreg:$0x3] =	wrdreg s7  }
0xac: {  	[dreg:$0x4] =	wrdreg $0xC0  }
0xad: {  	_ =	task [dreg:s9], $0x5FFFF  }
0xae: {  	[dreg:$0x1] =	wrdreg $0xFFFFFFFF  }
0xaf: {  	[dreg:$0x0] =	wrdreg $0x60  }
0xb0: {  	[dreg:$0x2] =	wrdreg s18  }
0xb1: {  	[dreg:$0x3] =	wrdreg s2  }
0xb2: {  	[dreg:$0x4] =	wrdreg s24  }
0xb3: {  	[dreg:$0x5] =	wrdreg s4  }
0xb4: {  	[dreg:$0x6] =	wrdreg $0x9  }
0xb5: {  	_ =	task.clear_ibuf [dreg:s9], $0x7FFFF;
	_ =	strace $0x90000046  }
0xb6: {  	s29 =	simm.s32 $0x9;
	_ =	strace $0x80000048  }
0xb7: {  	_ =	swait.ge [sflag:s29], $0x1  }
0xb8: {  	[sflag:s29] =	ssyncadd.s32 $0xFFFFFFFF  }
0xb9: {  	_ =	strace $0x90000048  }
0xba: {  	_ =	sfence  }
0xbb: {  	s30 =	sld [smem:$0x0];
	_ =	sdelay $0x2  }
0xbc: {  	s31 =	sshll.u32 s1, $0xD;
	s1 =	sshrl.u32 s1, $0x2  }
0xbd: {  	s3 =	sand.u32 $0x4000, s31;
	s1 =	sadd.s32 s1, s30  }
0xbe: {  	s0 =	sor.u32 s3, s0;
	s1 =	sshll.u32 s1, $0x11  }
0xbf: {  	s0 =	sor.u32 s1, s0  }
0xc0: {  	s0 =	sadd.s32 $0x8F2B, s0  }
0xc1: {  	[sflag:s0] =	ssyncadd.remote.s32 $0x1  }
0xc2: {  	_ =	sfence.sel $0xFFFF  }
0xc3: {  	[dreg:$0x0] =	wrdreg $0xFFFFFFFF;
	(pc) =	sbr.abs _section_cstart, $3  }
0xc4: {  	[dreg:$0x1] =	wrdreg $0xFFFFFFFF  }
0xc5: {  	_ =	task.clear_ibuf [dreg:s9], $0x2FFFF;
	_ =	strace $0x9FFFFFFF  }
0xc6: {  	(tm) =	ssettm $0x7FFFFFFF  }
0xc7: {  	_ =	shalt  }
tec
execute0_lowered:
.L_overlay_start_1:
0x0: {  	(tag) =	ssettag $0x1  }
0x1: {  	s13 =	rddreg [dreg:$0x0]  }
0x2: {  	s29 =	rddreg [dreg:$0x1]  }
0x3: {  	s0 =	rddreg [dreg:$0x2];
	s2 =	srdreg.scid  }
0x4: {  	s1 =	stileid.u32;
	s6 =	rddreg [dreg:$0x3];
	s5 =	simm.s32 $0x0  }
0x5: {  	s22 =	simm.s32 $0xA00;
	s2 =	sand.u32 $0x1, s2;
	s3 =	sshll.u32 s1, $0x1  }
0x6: {  	[smem:$0x7FF] =	sst s5;
	s25 =	sadd.s32 $0x100, s13;
	s9 =	sadd.s32 $0x300, s13  }
0x7: {  	s10 =	sadd.s32 $0x400, s13;
	s11 =	sadd.s32 $0x500, s13;
	s12 =	sadd.s32 $0x600, s13  }
0x8: {  	s14 =	sadd.s32 $0x100, s6;
	s15 =	sadd.s32 $0x200, s6;
	s21 =	sadd.s32 $0x100, s29  }
0x9: {  	s23 =	sadd.s32 $0x200, s29;
	_ =	strace $0x80000047;
	[dreg:$0xd] =	wrdreg s21  }
0xa: {  	s24 =	sadd.s32 $0x300, s29;
	s26 =	sadd.s32 $0x400, s29;
	[dreg:$0xe] =	wrdreg s23  }
0xb: {  	s3 =	sor.u32 s2, s3;
	s2 =	ssub.s32 $0x2, s2;
	[dreg:$0xf] =	wrdreg s24  }
0xc: {  	[dreg:$0xa] =	wrdreg s22;
	s28 =	sshll.u32 s3, $0x7;
	s3 =	sshll.u32 s3, $0x6  }
0xd: {  	[dreg:$0x10] =	wrdreg s26;
	s7 =	sshrl.u32 s2, $0x1;
	s30 =	sadd.s32 s0, s3  }
0xe: {  	s31 =	ssub.s32 s2, s7;
	s7 =	simm.s32 $0x800;
	[dreg:$0xb] =	wrdreg s30  }
0xf: {  	s1 =	sadd.s32 s28, s0;
	s28 =	sadd.s32 $0x500, s29;
	[dreg:$0x9] =	wrdreg s7  }
0x10: {  	s16 =	sadd.s32 $0x300, s6;
	s8 =	sadd.s32 $0x2000, s1;
	[dreg:$0x11] =	wrdreg s28  }
0x11: {  	s17 =	sadd.s32 $0x400, s6;
	s4 =	sadd.s32 $0x1000, s1;
	[dreg:$0x5] =	wrdreg s8  }
0x12: {  	s18 =	sadd.s32 $0x500, s6;
	s3 =	sadd.s32 $0x800, s30;
	[dreg:$0x6] =	wrdreg s4  }
0x13: {  	s19 =	sadd.s32 $0x600, s6;
	s30 =	sadd.s32 $0x600, s29;
	[dreg:$0x7] =	wrdreg s3  }
0x14: {  	v2 =	vlaneseq.u32;
	s0 =	smax.u32 s31, $0x1;
	s31 =	sadd.s32 $0x700, s29;
	[dreg:$0x12] =	wrdreg s30  }
0x15: {  	vm0 =	vmmov $0xffff;
	s20 =	sadd.s32 $0x700, s6;
	v1 =	vshrl.u32 v2, $0x3;
	s4 =	simm.s32 $0x400;
	[dreg:$0x13] =	wrdreg s31  }
0x16: {  	v0 =	vand.u32 $0x7, v2;
	v2 =	vor.u32 $0x8, v2;
	v1 =	vmul.u32 $0x8, v1;
	s8 =	sadd.s32 $0x200, s13;
	s13 =	sadd.s32 $0x700, s13;
	[dreg:$0x8] =	wrdreg s4  }
.LBB2_1:
0x17: {  	[dreg:$0xc] =	wrdreg s0  }
0x18: {  	s2 =	rddreg [dreg:$0x5]  }
0x19: {  	s29 =	rddreg [dreg:$0x6]  }
0x1a: {  	s31 =	rddreg [dreg:$0x8]  }
0x1b: {  	s30 =	rddreg [dreg:$0x7]  }
0x1c: {  	[tilespmem:s5], [sflag:$0x7] =	stream.linear.gather [hbm4b:s2+s5], $0x300, $0x38;
	[tilespmem:$0x18C00] =	vst v63  }
0x1d: {  	s1 =	rddreg [dreg:$0x9]  }
0x1e: {  	[tilespmem:s31], [sflag:$0x7] =	stream.linear.gather [hbm4b:s29+s5], $0x300, $0x38;
	[tilespmem:$0x18C00] =	vst v63  }
0x1f: {  	s31 =	rddreg [dreg:$0xa]  }
0x20: {  	[tilespmem:s1], [sflag:$0x7] =	stream.linear.gather [hbm4b:s30+s5], $0x200, $0x38;
	[tilespmem:$0x18C00] =	vst v63  }
0x21: {  	s2 =	simm.s32 $0x7;
	s1 =	rddreg [dreg:$0xb]  }
0x22: {  	[tilespmem:s31], [sflag:$0x7] =	stream.linear.gather [hbm4b:s1+s5], $0x200, $0x38;
	[tilespmem:$0x18C00] =	vst v63  }
0x23: {  	_ =	swait.ge [sflag:s2], $0x300  }
0x24: {  	[sflag:s2] =	ssyncset.done $0x0  }
0x25: {  	[sflag:s2] =	ssyncadd.s32 $0xFFFFFD00  }
0x26: {  	_ =	swait.ge [sflag:s2], $0x300  }
0x27: {  	[sflag:s2] =	ssyncset.done $0x0  }
0x28: {  	[sflag:s2] =	ssyncadd.s32 $0xFFFFFD00  }
0x29: {  	_ =	swait.ge [sflag:s2], $0x200  }
0x2a: {  	[sflag:s2] =	ssyncset.done $0x0  }
0x2b: {  	[sflag:s2] =	ssyncadd.s32 $0xFFFFFE00  }
0x2c: {  	_ =	swait.ge [sflag:s2], $0x200  }
0x2d: {  	[sflag:s2] =	ssyncset.done $0x0  }
0x2e: {  	[sflag:s2] =	ssyncadd.s32 $0xFFFFFE00  }
0x2f: {  	v3 =	vld [tilespmem:$0x0];
	_ =	sdelay $0x4  }
0x30: {  	v4 =	vshll.u32 v3, $0x4  }
0x31: {  	v3 =	vand.u32 $0x7, v3;
	v4 =	vand.u32 $0xFFFFFF80, v4  }
0x32: {  	v3 =	vor.u32 v3, v4  }
0x33: {  	v4 =	vperm.xlane v3, v0;
	_ =	sdelay $0x1  }
0x34: {  	v4 =	vadd.s32 v1, v4;
	_ =	sdelay $0x3  }
0x35: {  	s3 =	simm.s32 $0xC00;
	s0 =	rddreg [dreg:$0x0]  }
0x36: {  	[tilespmem:s3], [sflag:$0x1] =	stream.indirect_vreg.gather [hbm4b:s0+s5], $0x80, v4, vm0, $0xb8;
	[tilespmem:$0x18C00] =	vst v63  }
0x37: {  	s4 =	simm.s32 $0x1400  }
0x38: {  	[tilespmem:s4], [sflag:$0x1] =	stream.indirect_vreg.gather [hbm4b:s25+s5], $0x80, v4, vm0, $0xb8;
	[tilespmem:$0x18C00] =	vst v63  }
0x39: {  	s6 =	simm.s32 $0x1C00  }
0x3a: {  	[tilespmem:s6], [sflag:$0x1] =	stream.indirect_vreg.gather [hbm4b:s8+s5], $0x80, v4, vm0, $0xb8;
	[tilespmem:$0x18C00] =	vst v63  }
0x3b: {  	s7 =	simm.s32 $0x2400  }
0x3c: {  	[tilespmem:s7], [sflag:$0x1] =	stream.indirect_vreg.gather [hbm4b:s9+s5], $0x80, v4, vm0, $0xb8;
	[tilespmem:$0x18C00] =	vst v63  }
0x3d: {  	s21 =	simm.s32 $0x2C00  }
0x3e: {  	[tilespmem:s21], [sflag:$0x1] =	stream.indirect_vreg.gather [hbm4b:s10+s5], $0x80, v4, vm0, $0xb8;
	[tilespmem:$0x18C00] =	vst v63  }
0x3f: {  	s22 =	simm.s32 $0x3400;
	v3 =	vperm.xlane v3, v2  }
0x40: {  	[tilespmem:s22], [sflag:$0x1] =	stream.indirect_vreg.gather [hbm4b:s11+s5], $0x80, v4, vm0, $0xb8;
	[tilespmem:$0x18C00] =	vst v63  }
0x41: {  	s23 =	simm.s32 $0x3C00;
	v3 =	vadd.s32 v1, v3  }
0x42: {  	[tilespmem:s23], [sflag:$0x1] =	stream.indirect_vreg.gather [hbm4b:s12+s5], $0x80, v4, vm0, $0xb8;
	[tilespmem:$0x18C00] =	vst v63  }
0x43: {  	s24 =	simm.s32 $0x4400  }
0x44: {  	[tilespmem:s24], [sflag:$0x1] =	stream.indirect_vreg.gather [hbm4b:s13+s5], $0x80, v4, vm0, $0xb8;
	[tilespmem:$0x18C00] =	vst v63  }
0x45: {  	s30 =	simm.s32 $0x4C00  }
0x46: {  	[tilespmem:s30], [sflag:$0x1] =	stream.indirect_vreg.gather [hbm4b:s0+s5], $0x80, v3, vm0, $0xb8;
	[tilespmem:$0x18C00] =	vst v63  }
0x47: {  	s31 =	simm.s32 $0x5400  }
0x48: {  	[tilespmem:s31], [sflag:$0x1] =	stream.indirect_vreg.gather [hbm4b:s25+s5], $0x80, v3, vm0, $0xb8;
	[tilespmem:$0x18C00] =	vst v63  }
0x49: {  	s7 =	simm.s32 $0x5C00  }
0x4a: {  	[tilespmem:s7], [sflag:$0x1] =	stream.indirect_vreg.gather [hbm4b:s8+s5], $0x80, v3, vm0, $0xb8;
	[tilespmem:$0x18C00] =	vst v63  }
0x4b: {  	s24 =	simm.s32 $0x6400  }
0x4c: {  	[tilespmem:s24], [sflag:$0x1] =	stream.indirect_vreg.gather [hbm4b:s9+s5], $0x80, v3, vm0, $0xb8;
	[tilespmem:$0x18C00] =	vst v63  }
0x4d: {  	s30 =	simm.s32 $0x6C00  }
0x4e: {  	[tilespmem:s30], [sflag:$0x1] =	stream.indirect_vreg.gather [hbm4b:s10+s5], $0x80, v3, vm0, $0xb8;
	[tilespmem:$0x18C00] =	vst v63  }
0x4f: {  	s7 =	simm.s32 $0x7400  }
0x50: {  	[tilespmem:s7], [sflag:$0x1] =	stream.indirect_vreg.gather [hbm4b:s11+s5], $0x80, v3, vm0, $0xb8;
	[tilespmem:$0x18C00] =	vst v63  }
0x51: {  	s24 =	simm.s32 $0x7C00  }
0x52: {  	[tilespmem:s24], [sflag:$0x1] =	stream.indirect_vreg.gather [hbm4b:s12+s5], $0x80, v3, vm0, $0xb8;
	[tilespmem:$0x18C00] =	vst v63  }
0x53: {  	s30 =	simm.s32 $0x8400  }
0x54: {  	[tilespmem:s30], [sflag:$0x1] =	stream.indirect_vreg.gather [hbm4b:s13+s5], $0x80, v3, vm0, $0xb8;
	[tilespmem:$0x18C00] =	vst v63  }
0x55: {  	v3 =	vld [tilespmem:$0x80];
	_ =	sdelay $0x4  }
0x56: {  	v45 =	vshll.u32 v3, $0x4  }
0x57: {  	v3 =	vand.u32 $0x7, v3;
	v4 =	vand.u32 $0xFFFFFF80, v45  }
0x58: {  	v3 =	vor.u32 v3, v4  }
0x59: {  	v4 =	vperm.xlane v3, v0;
	_ =	sdelay $0x1  }
0x5a: {  	v4 =	vadd.s32 v1, v4;
	_ =	sdelay $0x3  }
0x5b: {  	s30 =	simm.s32 $0x8C00  }
0x5c: {  	[tilespmem:s30], [sflag:$0x2] =	stream.indirect_vreg.gather [hbm4b:s0+s5], $0x80, v4, vm0, $0xb8;
	[tilespmem:$0x18C00] =	vst v63  }
0x5d: {  	s7 =	simm.s32 $0x9400  }
0x5e: {  	[tilespmem:s7], [sflag:$0x2] =	stream.indirect_vreg.gather [hbm4b:s25+s5], $0x80, v4, vm0, $0xb8;
	[tilespmem:$0x18C00] =	vst v63  }
0x5f: {  	s7 =	simm.s32 $0x9C00  }
0x60: {  	[tilespmem:s7], [sflag:$0x2] =	stream.indirect_vreg.gather [hbm4b:s8+s5], $0x80, v4, vm0, $0xb8;
	[tilespmem:$0x18C00] =	vst v63  }
0x61: {  	s7 =	simm.s32 $0xA400  }
0x62: {  	[tilespmem:s7], [sflag:$0x2] =	stream.indirect_vreg.gather [hbm4b:s9+s5], $0x80, v4, vm0, $0xb8;
	[tilespmem:$0x18C00] =	vst v63  }
0x63: {  	s7 =	simm.s32 $0xAC00  }
0x64: {  	[tilespmem:s7], [sflag:$0x2] =	stream.indirect_vreg.gather [hbm4b:s10+s5], $0x80, v4, vm0, $0xb8;
	[tilespmem:$0x18C00] =	vst v63  }
0x65: {  	v3 =	vperm.xlane v3, v2;
	s7 =	simm.s32 $0xB400  }
0x66: {  	[tilespmem:s7], [sflag:$0x2] =	stream.indirect_vreg.gather [hbm4b:s11+s5], $0x80, v4, vm0, $0xb8;
	[tilespmem:$0x18C00] =	vst v63  }
0x67: {  	v3 =	vadd.s32 v1, v3;
	s7 =	simm.s32 $0xBC00  }
0x68: {  	[tilespmem:s7], [sflag:$0x2] =	stream.indirect_vreg.gather [hbm4b:s12+s5], $0x80, v4, vm0, $0xb8;
	[tilespmem:$0x18C00] =	vst v63  }
0x69: {  	s7 =	simm.s32 $0xC400  }
0x6a: {  	[tilespmem:s7], [sflag:$0x2] =	stream.indirect_vreg.gather [hbm4b:s13+s5], $0x80, v4, vm0, $0xb8;
	[tilespmem:$0x18C00] =	vst v63  }
0x6b: {  	s7 =	simm.s32 $0xCC00  }
0x6c: {  	[tilespmem:s7], [sflag:$0x2] =	stream.indirect_vreg.gather [hbm4b:s0+s5], $0x80, v3, vm0, $0xb8;
	[tilespmem:$0x18C00] =	vst v63  }
0x6d: {  	s7 =	simm.s32 $0xD400  }
0x6e: {  	[tilespmem:s7], [sflag:$0x2] =	stream.indirect_vreg.gather [hbm4b:s25+s5], $0x80, v3, vm0, $0xb8;
	[tilespmem:$0x18C00] =	vst v63  }
0x6f: {  	s7 =	simm.s32 $0xDC00  }
0x70: {  	[tilespmem:s7], [sflag:$0x2] =	stream.indirect_vreg.gather [hbm4b:s8+s5], $0x80, v3, vm0, $0xb8;
	[tilespmem:$0x18C00] =	vst v63  }
0x71: {  	s7 =	simm.s32 $0xE400  }
0x72: {  	[tilespmem:s7], [sflag:$0x2] =	stream.indirect_vreg.gather [hbm4b:s9+s5], $0x80, v3, vm0, $0xb8;
	[tilespmem:$0x18C00] =	vst v63  }
0x73: {  	s7 =	simm.s32 $0xEC00  }
0x74: {  	[tilespmem:s7], [sflag:$0x2] =	stream.indirect_vreg.gather [hbm4b:s10+s5], $0x80, v3, vm0, $0xb8;
	[tilespmem:$0x18C00] =	vst v63  }
0x75: {  	s7 =	simm.s32 $0xF400  }
0x76: {  	[tilespmem:s7], [sflag:$0x2] =	stream.indirect_vreg.gather [hbm4b:s11+s5], $0x80, v3, vm0, $0xb8;
	[tilespmem:$0x18C00] =	vst v63  }
0x77: {  	s7 =	simm.s32 $0xFC00  }
0x78: {  	[tilespmem:s7], [sflag:$0x2] =	stream.indirect_vreg.gather [hbm4b:s12+s5], $0x80, v3, vm0, $0xb8;
	[tilespmem:$0x18C00] =	vst v63  }
0x79: {  	s7 =	simm.s32 $0x10400  }
0x7a: {  	[tilespmem:s7], [sflag:$0x2] =	stream.indirect_vreg.gather [hbm4b:s13+s5], $0x80, v3, vm0, $0xb8;
	[tilespmem:$0x18C00] =	vst v63  }
0x7b: {  	s7 =	simm.s32 $0x1  }
0x7c: {  	_ =	swait.ge [sflag:s7], $0x8000  }
0x7d: {  	[sflag:s7] =	ssyncset.done $0x0  }
0x7e: {  	[sflag:s7] =	ssyncadd.s32 $0xFFFF8000  }
0x7f: {  	v3 =	vld [tilespmem:$0x400];
	_ =	sdelay $0x4  }
0x80: {  	v46 =	vshll.u32 v3, $0x4  }
0x81: {  	v3 =	vand.u32 $0x7, v3;
	v4 =	vand.u32 $0xFFFFFF80, v46  }
0x82: {  	v3 =	vor.u32 v3, v4  }
0x83: {  	v4 =	vperm.xlane v3, v0;
	_ =	sdelay $0x1  }
0x84: {  	v4 =	vadd.s32 v1, v4;
	_ =	sdelay $0x3  }
0x85: {  	s29 =	simm.s32 $0xC00;
	s7 =	rddreg [dreg:$0x3]  }
0x86: {  	[hbm4b:s7+s5] =	stream.indirect_vreg.scatter [tilespmem:s29], [sflag:$0x4], $0x80, v4, vm0, $0xb8;
	[tilespmem:$0x18C00] =	vst v63  }
0x87: {  	s2 =	simm.s32 $0x1400  }
0x88: {  	[hbm4b:s14+s5] =	stream.indirect_vreg.scatter [tilespmem:s2], [sflag:$0x4], $0x80, v4, vm0, $0xb8;
	[tilespmem:$0x18C00] =	vst v63  }
0x89: {  	s3 =	simm.s32 $0x1C00  }
0x8a: {  	[hbm4b:s15+s5] =	stream.indirect_vreg.scatter [tilespmem:s3], [sflag:$0x4], $0x80, v4, vm0, $0xb8;
	[tilespmem:$0x18C00] =	vst v63  }
0x8b: {  	s6 =	simm.s32 $0x2400  }
0x8c: {  	[hbm4b:s16+s5] =	stream.indirect_vreg.scatter [tilespmem:s6], [sflag:$0x4], $0x80, v4, vm0, $0xb8;
	[tilespmem:$0x18C00] =	vst v63  }
0x8d: {  	s26 =	simm.s32 $0x2C00  }
0x8e: {  	[hbm4b:s17+s5] =	stream.indirect_vreg.scatter [tilespmem:s26], [sflag:$0x4], $0x80, v4, vm0, $0xb8;
	[tilespmem:$0x18C00] =	vst v63  }
0x8f: {  	s28 =	simm.s32 $0x3400;
	v3 =	vperm.xlane v3, v2  }
0x90: {  	[hbm4b:s18+s5] =	stream.indirect_vreg.scatter [tilespmem:s28], [sflag:$0x4], $0x80, v4, vm0, $0xb8;
	[tilespmem:$0x18C00] =	vst v63  }
0x91: {  	s4 =	simm.s32 $0x3C00;
	v3 =	vadd.s32 v1, v3  }
0x92: {  	[hbm4b:s19+s5] =	stream.indirect_vreg.scatter [tilespmem:s4], [sflag:$0x4], $0x80, v4, vm0, $0xb8;
	[tilespmem:$0x18C00] =	vst v63  }
0x93: {  	s21 =	simm.s32 $0x4400  }
0x94: {  	[hbm4b:s20+s5] =	stream.indirect_vreg.scatter [tilespmem:s21], [sflag:$0x4], $0x80, v4, vm0, $0xb8;
	[tilespmem:$0x18C00] =	vst v63  }
0x95: {  	s22 =	simm.s32 $0x4C00  }
0x96: {  	[hbm4b:s7+s5] =	stream.indirect_vreg.scatter [tilespmem:s22], [sflag:$0x4], $0x80, v3, vm0, $0xb8;
	[tilespmem:$0x18C00] =	vst v63  }
0x97: {  	s23 =	simm.s32 $0x5400  }
0x98: {  	[hbm4b:s14+s5] =	stream.indirect_vreg.scatter [tilespmem:s23], [sflag:$0x4], $0x80, v3, vm0, $0xb8;
	[tilespmem:$0x18C00] =	vst v63  }
0x99: {  	s31 =	simm.s32 $0x5C00  }
0x9a: {  	[hbm4b:s15+s5] =	stream.indirect_vreg.scatter [tilespmem:s31], [sflag:$0x4], $0x80, v3, vm0, $0xb8;
	[tilespmem:$0x18C00] =	vst v63  }
0x9b: {  	s2 =	simm.s32 $0x6400  }
0x9c: {  	[hbm4b:s16+s5] =	stream.indirect_vreg.scatter [tilespmem:s2], [sflag:$0x4], $0x80, v3, vm0, $0xb8;
	[tilespmem:$0x18C00] =	vst v63  }
0x9d: {  	s3 =	simm.s32 $0x6C00  }
0x9e: {  	[hbm4b:s17+s5] =	stream.indirect_vreg.scatter [tilespmem:s3], [sflag:$0x4], $0x80, v3, vm0, $0xb8;
	[tilespmem:$0x18C00] =	vst v63  }
0x9f: {  	s4 =	simm.s32 $0x7400  }
0xa0: {  	[hbm4b:s18+s5] =	stream.indirect_vreg.scatter [tilespmem:s4], [sflag:$0x4], $0x80, v3, vm0, $0xb8;
	[tilespmem:$0x18C00] =	vst v63  }
0xa1: {  	s24 =	simm.s32 $0x7C00  }
0xa2: {  	[hbm4b:s19+s5] =	stream.indirect_vreg.scatter [tilespmem:s24], [sflag:$0x4], $0x80, v3, vm0, $0xb8;
	[tilespmem:$0x18C00] =	vst v63  }
0xa3: {  	s1 =	simm.s32 $0x8400  }
0xa4: {  	[hbm4b:s20+s5] =	stream.indirect_vreg.scatter [tilespmem:s1], [sflag:$0x4], $0x80, v3, vm0, $0xb8;
	[tilespmem:$0x18C00] =	vst v63  }
0xa5: {  	v3 =	vld [tilespmem:$0x100];
	_ =	sdelay $0x4  }
0xa6: {  	v47 =	vshll.u32 v3, $0x4  }
0xa7: {  	v3 =	vand.u32 $0x7, v3;
	v4 =	vand.u32 $0xFFFFFF80, v47  }
0xa8: {  	v3 =	vor.u32 v3, v4  }
0xa9: {  	v4 =	vperm.xlane v3, v0;
	_ =	sdelay $0x1  }
0xaa: {  	v4 =	vadd.s32 v1, v4;
	_ =	sdelay $0x3  }
0xab: {  	s24 =	simm.s32 $0x10C00  }
0xac: {  	[tilespmem:s24], [sflag:$0x3] =	stream.indirect_vreg.gather [hbm4b:s0+s5], $0x80, v4, vm0, $0xb8;
	[tilespmem:$0x18C00] =	vst v63  }
0xad: {  	s31 =	simm.s32 $0x11400  }
0xae: {  	[tilespmem:s31], [sflag:$0x3] =	stream.indirect_vreg.gather [hbm4b:s25+s5], $0x80, v4, vm0, $0xb8;
	[tilespmem:$0x18C00] =	vst v63  }
0xaf: {  	s6 =	simm.s32 $0x11C00  }
0xb0: {  	[tilespmem:s6], [sflag:$0x3] =	stream.indirect_vreg.gather [hbm4b:s8+s5], $0x80, v4, vm0, $0xb8;
	[tilespmem:$0x18C00] =	vst v63  }
0xb1: {  	s24 =	simm.s32 $0x12400  }
0xb2: {  	[tilespmem:s24], [sflag:$0x3] =	stream.indirect_vreg.gather [hbm4b:s9+s5], $0x80, v4, vm0, $0xb8;
	[tilespmem:$0x18C00] =	vst v63  }
0xb3: {  	s31 =	simm.s32 $0x12C00  }
0xb4: {  	[tilespmem:s31], [sflag:$0x3] =	stream.indirect_vreg.gather [hbm4b:s10+s5], $0x80, v4, vm0, $0xb8;
	[tilespmem:$0x18C00] =	vst v63  }
0xb5: {  	v3 =	vperm.xlane v3, v2;
	s6 =	simm.s32 $0x13400  }
0xb6: {  	[tilespmem:s6], [sflag:$0x3] =	stream.indirect_vreg.gather [hbm4b:s11+s5], $0x80, v4, vm0, $0xb8;
	[tilespmem:$0x18C00] =	vst v63  }
0xb7: {  	v3 =	vadd.s32 v1, v3;
	s24 =	simm.s32 $0x13C00  }
0xb8: {  	[tilespmem:s24], [sflag:$0x3] =	stream.indirect_vreg.gather [hbm4b:s12+s5], $0x80, v4, vm0, $0xb8;
	[tilespmem:$0x18C00] =	vst v63  }
0xb9: {  	s6 =	simm.s32 $0x14400  }
0xba: {  	[tilespmem:s6], [sflag:$0x3] =	stream.indirect_vreg.gather [hbm4b:s13+s5], $0x80, v4, vm0, $0xb8;
	[tilespmem:$0x18C00] =	vst v63  }
0xbb: {  	s24 =	simm.s32 $0x14C00  }
0xbc: {  	[tilespmem:s24], [sflag:$0x3] =	stream.indirect_vreg.gather [hbm4b:s0+s5], $0x80, v3, vm0, $0xb8;
	[tilespmem:$0x18C00] =	vst v63  }
0xbd: {  	s6 =	simm.s32 $0x15400  }
0xbe: {  	[tilespmem:s6], [sflag:$0x3] =	stream.indirect_vreg.gather [hbm4b:s25+s5], $0x80, v3, vm0, $0xb8;
	[tilespmem:$0x18C00] =	vst v63  }
0xbf: {  	s24 =	simm.s32 $0x15C00  }
0xc0: {  	[tilespmem:s24], [sflag:$0x3] =	stream.indirect_vreg.gather [hbm4b:s8+s5], $0x80, v3, vm0, $0xb8;
	[tilespmem:$0x18C00] =	vst v63  }
0xc1: {  	s6 =	simm.s32 $0x16400  }
0xc2: {  	[tilespmem:s6], [sflag:$0x3] =	stream.indirect_vreg.gather [hbm4b:s9+s5], $0x80, v3, vm0, $0xb8;
	[tilespmem:$0x18C00] =	vst v63  }
0xc3: {  	s24 =	simm.s32 $0x16C00  }
0xc4: {  	[tilespmem:s24], [sflag:$0x3] =	stream.indirect_vreg.gather [hbm4b:s10+s5], $0x80, v3, vm0, $0xb8;
	[tilespmem:$0x18C00] =	vst v63  }
0xc5: {  	s6 =	simm.s32 $0x17400  }
0xc6: {  	[tilespmem:s6], [sflag:$0x3] =	stream.indirect_vreg.gather [hbm4b:s11+s5], $0x80, v3, vm0, $0xb8;
	[tilespmem:$0x18C00] =	vst v63  }
0xc7: {  	s24 =	simm.s32 $0x17C00  }
0xc8: {  	[tilespmem:s24], [sflag:$0x3] =	stream.indirect_vreg.gather [hbm4b:s12+s5], $0x80, v3, vm0, $0xb8;
	[tilespmem:$0x18C00] =	vst v63  }
0xc9: {  	s1 =	simm.s32 $0x2;
	s6 =	simm.s32 $0x18400  }
0xca: {  	[tilespmem:s6], [sflag:$0x3] =	stream.indirect_vreg.gather [hbm4b:s13+s5], $0x80, v3, vm0, $0xb8;
	[tilespmem:$0x18C00] =	vst v63  }
0xcb: {  	_ =	swait.ge [sflag:s1], $0x8000  }
0xcc: {  	[sflag:s1] =	ssyncset.done $0x0  }
0xcd: {  	[sflag:s1] =	ssyncadd.s32 $0xFFFF8000  }
0xce: {  	v3 =	vld [tilespmem:$0x480];
	_ =	sdelay $0x4  }
0xcf: {  	v48 =	vshll.u32 v3, $0x4  }
0xd0: {  	v3 =	vand.u32 $0x7, v3;
	v4 =	vand.u32 $0xFFFFFF80, v48  }
0xd1: {  	v3 =	vor.u32 v3, v4  }
0xd2: {  	v4 =	vperm.xlane v3, v0;
	_ =	sdelay $0x1  }
0xd3: {  	v4 =	vadd.s32 v1, v4;
	_ =	sdelay $0x3  }
0xd4: {  	s24 =	simm.s32 $0x8C00  }
0xd5: {  	[hbm4b:s7+s5] =	stream.indirect_vreg.scatter [tilespmem:s24], [sflag:$0x5], $0x80, v4, vm0, $0xb8;
	[tilespmem:$0x18C00] =	vst v63  }
0xd6: {  	s24 =	simm.s32 $0x9400  }
0xd7: {  	[hbm4b:s14+s5] =	stream.indirect_vreg.scatter [tilespmem:s24], [sflag:$0x5], $0x80, v4, vm0, $0xb8;
	[tilespmem:$0x18C00] =	vst v63  }
0xd8: {  	s24 =	simm.s32 $0x9C00  }
0xd9: {  	[hbm4b:s15+s5] =	stream.indirect_vreg.scatter [tilespmem:s24], [sflag:$0x5], $0x80, v4, vm0, $0xb8;
	[tilespmem:$0x18C00] =	vst v63  }
0xda: {  	s24 =	simm.s32 $0xA400  }
0xdb: {  	[hbm4b:s16+s5] =	stream.indirect_vreg.scatter [tilespmem:s24], [sflag:$0x5], $0x80, v4, vm0, $0xb8;
	[tilespmem:$0x18C00] =	vst v63  }
0xdc: {  	s24 =	simm.s32 $0xAC00  }
0xdd: {  	[hbm4b:s17+s5] =	stream.indirect_vreg.scatter [tilespmem:s24], [sflag:$0x5], $0x80, v4, vm0, $0xb8;
	[tilespmem:$0x18C00] =	vst v63  }
0xde: {  	v3 =	vperm.xlane v3, v2;
	s24 =	simm.s32 $0xB400  }
0xdf: {  	[hbm4b:s18+s5] =	stream.indirect_vreg.scatter [tilespmem:s24], [sflag:$0x5], $0x80, v4, vm0, $0xb8;
	[tilespmem:$0x18C00] =	vst v63  }
0xe0: {  	v3 =	vadd.s32 v1, v3;
	s24 =	simm.s32 $0xBC00  }
0xe1: {  	[hbm4b:s19+s5] =	stream.indirect_vreg.scatter [tilespmem:s24], [sflag:$0x5], $0x80, v4, vm0, $0xb8;
	[tilespmem:$0x18C00] =	vst v63  }
0xe2: {  	s24 =	simm.s32 $0xC400  }
0xe3: {  	[hbm4b:s20+s5] =	stream.indirect_vreg.scatter [tilespmem:s24], [sflag:$0x5], $0x80, v4, vm0, $0xb8;
	[tilespmem:$0x18C00] =	vst v63  }
0xe4: {  	s24 =	simm.s32 $0xCC00  }
0xe5: {  	[hbm4b:s7+s5] =	stream.indirect_vreg.scatter [tilespmem:s24], [sflag:$0x5], $0x80, v3, vm0, $0xb8;
	[tilespmem:$0x18C00] =	vst v63  }
0xe6: {  	s24 =	simm.s32 $0xD400  }
0xe7: {  	[hbm4b:s14+s5] =	stream.indirect_vreg.scatter [tilespmem:s24], [sflag:$0x5], $0x80, v3, vm0, $0xb8;
	[tilespmem:$0x18C00] =	vst v63  }
0xe8: {  	s24 =	simm.s32 $0xDC00  }
0xe9: {  	[hbm4b:s15+s5] =	stream.indirect_vreg.scatter [tilespmem:s24], [sflag:$0x5], $0x80, v3, vm0, $0xb8;
	[tilespmem:$0x18C00] =	vst v63  }
0xea: {  	s24 =	simm.s32 $0xE400  }
0xeb: {  	[hbm4b:s16+s5] =	stream.indirect_vreg.scatter [tilespmem:s24], [sflag:$0x5], $0x80, v3, vm0, $0xb8;
	[tilespmem:$0x18C00] =	vst v63  }
0xec: {  	s24 =	simm.s32 $0xEC00  }
0xed: {  	[hbm4b:s17+s5] =	stream.indirect_vreg.scatter [tilespmem:s24], [sflag:$0x5], $0x80, v3, vm0, $0xb8;
	[tilespmem:$0x18C00] =	vst v63  }
0xee: {  	s24 =	simm.s32 $0xF400  }
0xef: {  	[hbm4b:s18+s5] =	stream.indirect_vreg.scatter [tilespmem:s24], [sflag:$0x5], $0x80, v3, vm0, $0xb8;
	[tilespmem:$0x18C00] =	vst v63  }
0xf0: {  	s24 =	simm.s32 $0xFC00  }
0xf1: {  	[hbm4b:s19+s5] =	stream.indirect_vreg.scatter [tilespmem:s24], [sflag:$0x5], $0x80, v3, vm0, $0xb8;
	[tilespmem:$0x18C00] =	vst v63  }
0xf2: {  	s6 =	simm.s32 $0x4;
	s24 =	simm.s32 $0x10400  }
0xf3: {  	[hbm4b:s20+s5] =	stream.indirect_vreg.scatter [tilespmem:s24], [sflag:$0x5], $0x80, v3, vm0, $0xb8;
	[tilespmem:$0x18C00] =	vst v63  }
0xf4: {  	_ =	swait.ge [sflag:s6], $0x8000  }
0xf5: {  	[sflag:s6] =	ssyncset.done $0x0  }
0xf6: {  	[sflag:s6] =	ssyncadd.s32 $0xFFFF8000  }
0xf7: {  	v3 =	vld [tilespmem:$0x180];
	_ =	sdelay $0x4  }
0xf8: {  	v49 =	vshll.u32 v3, $0x4  }
0xf9: {  	v3 =	vand.u32 $0x7, v3;
	v4 =	vand.u32 $0xFFFFFF80, v49  }
0xfa: {  	v3 =	vor.u32 v3, v4  }
0xfb: {  	v4 =	vperm.xlane v3, v0;
	_ =	sdelay $0x1  }
0xfc: {  	v4 =	vadd.s32 v1, v4;
	_ =	sdelay $0x3  }
0xfd: {  	s24 =	simm.s32 $0xC00  }
0xfe: {  	[tilespmem:s24], [sflag:$0x1] =	stream.indirect_vreg.gather [hbm4b:s0+s5], $0x80, v4, vm0, $0xb8;
	[tilespmem:$0x18C00] =	vst v63  }
0xff: {  	s24 =	simm.s32 $0x1400  }
0x100: {  	[tilespmem:s24], [sflag:$0x1] =	stream.indirect_vreg.gather [hbm4b:s25+s5], $0x80, v4, vm0, $0xb8;
	[tilespmem:$0x18C00] =	vst v63  }
0x101: {  	s30 =	simm.s32 $0x1C00  }
0x102: {  	[tilespmem:s30], [sflag:$0x1] =	stream.indirect_vreg.gather [hbm4b:s8+s5], $0x80, v4, vm0, $0xb8;
	[tilespmem:$0x18C00] =	vst v63  }
0x103: {  	s29 =	simm.s32 $0x2400  }
0x104: {  	[tilespmem:s29], [sflag:$0x1] =	stream.indirect_vreg.gather [hbm4b:s9+s5], $0x80, v4, vm0, $0xb8;
	[tilespmem:$0x18C00] =	vst v63  }
0x105: {  	s30 =	simm.s32 $0x2C00  }
0x106: {  	[tilespmem:s30], [sflag:$0x1] =	stream.indirect_vreg.gather [hbm4b:s10+s5], $0x80, v4, vm0, $0xb8;
	[tilespmem:$0x18C00] =	vst v63  }
0x107: {  	s28 =	simm.s32 $0x3400;
	v3 =	vperm.xlane v3, v2  }
0x108: {  	[tilespmem:s28], [sflag:$0x1] =	stream.indirect_vreg.gather [hbm4b:s11+s5], $0x80, v4, vm0, $0xb8;
	[tilespmem:$0x18C00] =	vst v63  }
0x109: {  	s26 =	simm.s32 $0x3C00;
	v3 =	vadd.s32 v1, v3  }
0x10a: {  	[tilespmem:s26], [sflag:$0x1] =	stream.indirect_vreg.gather [hbm4b:s12+s5], $0x80, v4, vm0, $0xb8;
	[tilespmem:$0x18C00] =	vst v63  }
0x10b: {  	s21 =	simm.s32 $0x4400  }
0x10c: {  	[tilespmem:s21], [sflag:$0x1] =	stream.indirect_vreg.gather [hbm4b:s13+s5], $0x80, v4, vm0, $0xb8;
	[tilespmem:$0x18C00] =	vst v63  }
0x10d: {  	s22 =	simm.s32 $0x4C00  }
0x10e: {  	[tilespmem:s22], [sflag:$0x1] =	stream.indirect_vreg.gather [hbm4b:s0+s5], $0x80, v3, vm0, $0xb8;
	[tilespmem:$0x18C00] =	vst v63  }
0x10f: {  	s23 =	simm.s32 $0x5400  }
0x110: {  	[tilespmem:s23], [sflag:$0x1] =	stream.indirect_vreg.gather [hbm4b:s25+s5], $0x80, v3, vm0, $0xb8;
	[tilespmem:$0x18C00] =	vst v63  }
0x111: {  	s22 =	simm.s32 $0x5C00  }
0x112: {  	[tilespmem:s22], [sflag:$0x1] =	stream.indirect_vreg.gather [hbm4b:s8+s5], $0x80, v3, vm0, $0xb8;
	[tilespmem:$0x18C00] =	vst v63  }
0x113: {  	_ = 	snop  }
0x114: {  	[tilespmem:s2], [sflag:$0x1] =	stream.indirect_vreg.gather [hbm4b:s9+s5], $0x80, v3, vm0, $0xb8;
	[tilespmem:$0x18C00] =	vst v63  }
0x115: {  	_ = 	snop  }
0x116: {  	[tilespmem:s3], [sflag:$0x1] =	stream.indirect_vreg.gather [hbm4b:s10+s5], $0x80, v3, vm0, $0xb8;
	[tilespmem:$0x18C00] =	vst v63  }
0x117: {  	_ = 	snop  }
0x118: {  	[tilespmem:s4], [sflag:$0x1] =	stream.indirect_vreg.gather [hbm4b:s11+s5], $0x80, v3, vm0, $0xb8;
	[tilespmem:$0x18C00] =	vst v63  }
0x119: {  	s2 =	simm.s32 $0x7C00  }
0x11a: {  	[tilespmem:s2], [sflag:$0x1] =	stream.indirect_vreg.gather [hbm4b:s12+s5], $0x80, v3, vm0, $0xb8;
	[tilespmem:$0x18C00] =	vst v63  }
0x11b: {  	s30 =	simm.s32 $0x8400;
	s23 =	simm.s32 $0x3  }
0x11c: {  	[tilespmem:s30], [sflag:$0x1] =	stream.indirect_vreg.gather [hbm4b:s13+s5], $0x80, v3, vm0, $0xb8;
	[tilespmem:$0x18C00] =	vst v63  }
0x11d: {  	_ =	swait.ge [sflag:s23], $0x8000  }
0x11e: {  	[sflag:s23] =	ssyncset.done $0x0  }
0x11f: {  	[sflag:s23] =	ssyncadd.s32 $0xFFFF8000  }
0x120: {  	v3 =	vld [tilespmem:$0x500];
	_ =	sdelay $0x4  }
0x121: {  	v50 =	vshll.u32 v3, $0x4  }
0x122: {  	v3 =	vand.u32 $0x7, v3;
	v4 =	vand.u32 $0xFFFFFF80, v50  }
0x123: {  	v3 =	vor.u32 v3, v4  }
0x124: {  	v4 =	vperm.xlane v3, v0;
	_ =	sdelay $0x1  }
0x125: {  	v4 =	vadd.s32 v1, v4;
	_ =	sdelay $0x3  }
0x126: {  	s24 =	simm.s32 $0x10C00  }
0x127: {  	[hbm4b:s7+s5] =	stream.indirect_vreg.scatter [tilespmem:s24], [sflag:$0x6], $0x80, v4, vm0, $0xb8;
	[tilespmem:$0x18C00] =	vst v63  }
0x128: {  	s26 =	simm.s32 $0x11400  }
0x129: {  	[hbm4b:s14+s5] =	stream.indirect_vreg.scatter [tilespmem:s26], [sflag:$0x6], $0x80, v4, vm0, $0xb8;
	[tilespmem:$0x18C00] =	vst v63  }
0x12a: {  	s21 =	simm.s32 $0x11C00  }
0x12b: {  	[hbm4b:s15+s5] =	stream.indirect_vreg.scatter [tilespmem:s21], [sflag:$0x6], $0x80, v4, vm0, $0xb8;
	[tilespmem:$0x18C00] =	vst v63  }
0x12c: {  	s28 =	simm.s32 $0x12400  }
0x12d: {  	[hbm4b:s16+s5] =	stream.indirect_vreg.scatter [tilespmem:s28], [sflag:$0x6], $0x80, v4, vm0, $0xb8;
	[tilespmem:$0x18C00] =	vst v63  }
0x12e: {  	s29 =	simm.s32 $0x12C00  }
0x12f: {  	[hbm4b:s17+s5] =	stream.indirect_vreg.scatter [tilespmem:s29], [sflag:$0x6], $0x80, v4, vm0, $0xb8;
	[tilespmem:$0x18C00] =	vst v63  }
0x130: {  	s31 =	simm.s32 $0x13400;
	v3 =	vperm.xlane v3, v2  }
0x131: {  	[hbm4b:s18+s5] =	stream.indirect_vreg.scatter [tilespmem:s31], [sflag:$0x6], $0x80, v4, vm0, $0xb8;
	[tilespmem:$0x18C00] =	vst v63  }
0x132: {  	s23 =	simm.s32 $0x13C00;
	v3 =	vadd.s32 v1, v3  }
0x133: {  	[hbm4b:s19+s5] =	stream.indirect_vreg.scatter [tilespmem:s23], [sflag:$0x6], $0x80, v4, vm0, $0xb8;
	[tilespmem:$0x18C00] =	vst v63  }
0x134: {  	s24 =	simm.s32 $0x14400  }
0x135: {  	[hbm4b:s20+s5] =	stream.indirect_vreg.scatter [tilespmem:s24], [sflag:$0x6], $0x80, v4, vm0, $0xb8;
	[tilespmem:$0x18C00] =	vst v63  }
0x136: {  	s26 =	simm.s32 $0x14C00  }
0x137: {  	[hbm4b:s7+s5] =	stream.indirect_vreg.scatter [tilespmem:s26], [sflag:$0x6], $0x80, v3, vm0, $0xb8;
	[tilespmem:$0x18C00] =	vst v63  }
0x138: {  	s28 =	simm.s32 $0x15400  }
0x139: {  	[hbm4b:s14+s5] =	stream.indirect_vreg.scatter [tilespmem:s28], [sflag:$0x6], $0x80, v3, vm0, $0xb8;
	[tilespmem:$0x18C00] =	vst v63  }
0x13a: {  	s29 =	simm.s32 $0x15C00  }
0x13b: {  	[hbm4b:s15+s5] =	stream.indirect_vreg.scatter [tilespmem:s29], [sflag:$0x6], $0x80, v3, vm0, $0xb8;
	[tilespmem:$0x18C00] =	vst v63  }
0x13c: {  	s4 =	simm.s32 $0x16400  }
0x13d: {  	[hbm4b:s16+s5] =	stream.indirect_vreg.scatter [tilespmem:s4], [sflag:$0x6], $0x80, v3, vm0, $0xb8;
	[tilespmem:$0x18C00] =	vst v63  }
0x13e: {  	s31 =	simm.s32 $0x16C00  }
0x13f: {  	[hbm4b:s17+s5] =	stream.indirect_vreg.scatter [tilespmem:s31], [sflag:$0x6], $0x80, v3, vm0, $0xb8;
	[tilespmem:$0x18C00] =	vst v63  }
0x140: {  	s31 =	simm.s32 $0x17400  }
0x141: {  	[hbm4b:s18+s5] =	stream.indirect_vreg.scatter [tilespmem:s31], [sflag:$0x6], $0x80, v3, vm0, $0xb8;
	[tilespmem:$0x18C00] =	vst v63  }
0x142: {  	s31 =	simm.s32 $0x17C00  }
0x143: {  	[hbm4b:s19+s5] =	stream.indirect_vreg.scatter [tilespmem:s31], [sflag:$0x6], $0x80, v3, vm0, $0xb8;
	[tilespmem:$0x18C00] =	vst v63  }
0x144: {  	s31 =	simm.s32 $0x18400  }
0x145: {  	[hbm4b:s20+s5] =	stream.indirect_vreg.scatter [tilespmem:s31], [sflag:$0x6], $0x80, v3, vm0, $0xb8;
	[tilespmem:$0x18C00] =	vst v63  }
0x146: {  	s31 =	simm.s32 $0x5  }
0x147: {  	_ =	swait.ge [sflag:s31], $0x8000  }
0x148: {  	[sflag:s31] =	ssyncset.done $0x0  }
0x149: {  	[sflag:s31] =	ssyncadd.s32 $0xFFFF8000  }
0x14a: {  	v3 =	vld [tilespmem:$0x200];
	_ =	sdelay $0x4  }
0x14b: {  	v51 =	vshll.u32 v3, $0x4  }
0x14c: {  	v3 =	vand.u32 $0x7, v3;
	v4 =	vand.u32 $0xFFFFFF80, v51  }
0x14d: {  	v3 =	vor.u32 v3, v4  }
0x14e: {  	v4 =	vperm.xlane v3, v0;
	_ =	sdelay $0x1  }
0x14f: {  	v4 =	vadd.s32 v1, v4;
	_ =	sdelay $0x3  }
0x150: {  	s31 =	simm.s32 $0x8C00  }
0x151: {  	[tilespmem:s31], [sflag:$0x2] =	stream.indirect_vreg.gather [hbm4b:s0+s5], $0x80, v4, vm0, $0xb8;
	[tilespmem:$0x18C00] =	vst v63  }
0x152: {  	s31 =	simm.s32 $0x9400  }
0x153: {  	[tilespmem:s31], [sflag:$0x2] =	stream.indirect_vreg.gather [hbm4b:s25+s5], $0x80, v4, vm0, $0xb8;
	[tilespmem:$0x18C00] =	vst v63  }
0x154: {  	s31 =	simm.s32 $0x9C00  }
0x155: {  	[tilespmem:s31], [sflag:$0x2] =	stream.indirect_vreg.gather [hbm4b:s8+s5], $0x80, v4, vm0, $0xb8;
	[tilespmem:$0x18C00] =	vst v63  }
0x156: {  	s31 =	simm.s32 $0xA400  }
0x157: {  	[tilespmem:s31], [sflag:$0x2] =	stream.indirect_vreg.gather [hbm4b:s9+s5], $0x80, v4, vm0, $0xb8;
	[tilespmem:$0x18C00] =	vst v63  }
0x158: {  	s31 =	simm.s32 $0xAC00  }
0x159: {  	[tilespmem:s31], [sflag:$0x2] =	stream.indirect_vreg.gather [hbm4b:s10+s5], $0x80, v4, vm0, $0xb8;
	[tilespmem:$0x18C00] =	vst v63  }
0x15a: {  	v3 =	vperm.xlane v3, v2;
	s31 =	simm.s32 $0xB400  }
0x15b: {  	[tilespmem:s31], [sflag:$0x2] =	stream.indirect_vreg.gather [hbm4b:s11+s5], $0x80, v4, vm0, $0xb8;
	[tilespmem:$0x18C00] =	vst v63  }
0x15c: {  	v3 =	vadd.s32 v1, v3;
	s31 =	simm.s32 $0xBC00  }
0x15d: {  	[tilespmem:s31], [sflag:$0x2] =	stream.indirect_vreg.gather [hbm4b:s12+s5], $0x80, v4, vm0, $0xb8;
	[tilespmem:$0x18C00] =	vst v63  }
0x15e: {  	s31 =	simm.s32 $0xC400  }
0x15f: {  	[tilespmem:s31], [sflag:$0x2] =	stream.indirect_vreg.gather [hbm4b:s13+s5], $0x80, v4, vm0, $0xb8;
	[tilespmem:$0x18C00] =	vst v63  }
0x160: {  	s31 =	simm.s32 $0xCC00  }
0x161: {  	[tilespmem:s31], [sflag:$0x2] =	stream.indirect_vreg.gather [hbm4b:s0+s5], $0x80, v3, vm0, $0xb8;
	[tilespmem:$0x18C00] =	vst v63  }
0x162: {  	s31 =	simm.s32 $0xD400  }
0x163: {  	[tilespmem:s31], [sflag:$0x2] =	stream.indirect_vreg.gather [hbm4b:s25+s5], $0x80, v3, vm0, $0xb8;
	[tilespmem:$0x18C00] =	vst v63  }
0x164: {  	s31 =	simm.s32 $0xDC00  }
0x165: {  	[tilespmem:s31], [sflag:$0x2] =	stream.indirect_vreg.gather [hbm4b:s8+s5], $0x80, v3, vm0, $0xb8;
	[tilespmem:$0x18C00] =	vst v63  }
0x166: {  	s31 =	simm.s32 $0xE400  }
0x167: {  	[tilespmem:s31], [sflag:$0x2] =	stream.indirect_vreg.gather [hbm4b:s9+s5], $0x80, v3, vm0, $0xb8;
	[tilespmem:$0x18C00] =	vst v63  }
0x168: {  	s31 =	simm.s32 $0xEC00  }
0x169: {  	[tilespmem:s31], [sflag:$0x2] =	stream.indirect_vreg.gather [hbm4b:s10+s5], $0x80, v3, vm0, $0xb8;
	[tilespmem:$0x18C00] =	vst v63  }
0x16a: {  	s31 =	simm.s32 $0xF400  }
0x16b: {  	[tilespmem:s31], [sflag:$0x2] =	stream.indirect_vreg.gather [hbm4b:s11+s5], $0x80, v3, vm0, $0xb8;
	[tilespmem:$0x18C00] =	vst v63  }
0x16c: {  	s31 =	simm.s32 $0xFC00  }
0x16d: {  	[tilespmem:s31], [sflag:$0x2] =	stream.indirect_vreg.gather [hbm4b:s12+s5], $0x80, v3, vm0, $0xb8;
	[tilespmem:$0x18C00] =	vst v63  }
0x16e: {  	s31 =	simm.s32 $0x10400  }
0x16f: {  	[tilespmem:s31], [sflag:$0x2] =	stream.indirect_vreg.gather [hbm4b:s13+s5], $0x80, v3, vm0, $0xb8;
	[tilespmem:$0x18C00] =	vst v63  }
0x170: {  	s31 =	simm.s32 $0x1  }
0x171: {  	_ =	swait.ge [sflag:s31], $0x8000  }
0x172: {  	[sflag:s31] =	ssyncset.done $0x0  }
0x173: {  	[sflag:s31] =	ssyncadd.s32 $0xFFFF8000  }
0x174: {  	v3 =	vld [tilespmem:$0x580];
	_ =	sdelay $0x4  }
0x175: {  	v52 =	vshll.u32 v3, $0x4  }
0x176: {  	v3 =	vand.u32 $0x7, v3;
	v4 =	vand.u32 $0xFFFFFF80, v52  }
0x177: {  	v3 =	vor.u32 v3, v4  }
0x178: {  	v4 =	vperm.xlane v3, v0;
	_ =	sdelay $0x1  }
0x179: {  	v4 =	vadd.s32 v1, v4;
	_ =	sdelay $0x3  }
0x17a: {  	s31 =	simm.s32 $0xC00  }
0x17b: {  	[hbm4b:s7+s5] =	stream.indirect_vreg.scatter [tilespmem:s31], [sflag:$0x4], $0x80, v4, vm0, $0xb8;
	[tilespmem:$0x18C00] =	vst v63  }
0x17c: {  	s31 =	simm.s32 $0x1400  }
0x17d: {  	[hbm4b:s14+s5] =	stream.indirect_vreg.scatter [tilespmem:s31], [sflag:$0x4], $0x80, v4, vm0, $0xb8;
	[tilespmem:$0x18C00] =	vst v63  }
0x17e: {  	s31 =	simm.s32 $0x1C00  }
0x17f: {  	[hbm4b:s15+s5] =	stream.indirect_vreg.scatter [tilespmem:s31], [sflag:$0x4], $0x80, v4, vm0, $0xb8;
	[tilespmem:$0x18C00] =	vst v63  }
0x180: {  	s31 =	simm.s32 $0x2400  }
0x181: {  	[hbm4b:s16+s5] =	stream.indirect_vreg.scatter [tilespmem:s31], [sflag:$0x4], $0x80, v4, vm0, $0xb8;
	[tilespmem:$0x18C00] =	vst v63  }
0x182: {  	s31 =	simm.s32 $0x2C00  }
0x183: {  	[hbm4b:s17+s5] =	stream.indirect_vreg.scatter [tilespmem:s31], [sflag:$0x4], $0x80, v4, vm0, $0xb8;
	[tilespmem:$0x18C00] =	vst v63  }
0x184: {  	v3 =	vperm.xlane v3, v2;
	s31 =	simm.s32 $0x3400  }
0x185: {  	[hbm4b:s18+s5] =	stream.indirect_vreg.scatter [tilespmem:s31], [sflag:$0x4], $0x80, v4, vm0, $0xb8;
	[tilespmem:$0x18C00] =	vst v63  }
0x186: {  	v3 =	vadd.s32 v1, v3;
	s31 =	simm.s32 $0x3C00  }
0x187: {  	[hbm4b:s19+s5] =	stream.indirect_vreg.scatter [tilespmem:s31], [sflag:$0x4], $0x80, v4, vm0, $0xb8;
	[tilespmem:$0x18C00] =	vst v63  }
0x188: {  	s31 =	simm.s32 $0x4400  }
0x189: {  	[hbm4b:s20+s5] =	stream.indirect_vreg.scatter [tilespmem:s31], [sflag:$0x4], $0x80, v4, vm0, $0xb8;
	[tilespmem:$0x18C00] =	vst v63  }
0x18a: {  	s31 =	simm.s32 $0x4C00  }
0x18b: {  	[hbm4b:s7+s5] =	stream.indirect_vreg.scatter [tilespmem:s31], [sflag:$0x4], $0x80, v3, vm0, $0xb8;
	[tilespmem:$0x18C00] =	vst v63  }
0x18c: {  	s31 =	simm.s32 $0x5400  }
0x18d: {  	[hbm4b:s14+s5] =	stream.indirect_vreg.scatter [tilespmem:s31], [sflag:$0x4], $0x80, v3, vm0, $0xb8;
	[tilespmem:$0x18C00] =	vst v63  }
0x18e: {  	_ = 	snop  }
0x18f: {  	[hbm4b:s15+s5] =	stream.indirect_vreg.scatter [tilespmem:s22], [sflag:$0x4], $0x80, v3, vm0, $0xb8;
	[tilespmem:$0x18C00] =	vst v63  }
0x190: {  	s31 =	simm.s32 $0x6400  }
0x191: {  	[hbm4b:s16+s5] =	stream.indirect_vreg.scatter [tilespmem:s31], [sflag:$0x4], $0x80, v3, vm0, $0xb8;
	[tilespmem:$0x18C00] =	vst v63  }
0x192: {  	s22 =	simm.s32 $0x6C00  }
0x193: {  	[hbm4b:s17+s5] =	stream.indirect_vreg.scatter [tilespmem:s22], [sflag:$0x4], $0x80, v3, vm0, $0xb8;
	[tilespmem:$0x18C00] =	vst v63  }
0x194: {  	s22 =	simm.s32 $0x7400  }
0x195: {  	[hbm4b:s18+s5] =	stream.indirect_vreg.scatter [tilespmem:s22], [sflag:$0x4], $0x80, v3, vm0, $0xb8;
	[tilespmem:$0x18C00] =	vst v63  }
0x196: {  	_ = 	snop  }
0x197: {  	[hbm4b:s19+s5] =	stream.indirect_vreg.scatter [tilespmem:s2], [sflag:$0x4], $0x80, v3, vm0, $0xb8;
	[tilespmem:$0x18C00] =	vst v63  }
0x198: {  	_ = 	snop  }
0x199: {  	[hbm4b:s20+s5] =	stream.indirect_vreg.scatter [tilespmem:s30], [sflag:$0x4], $0x80, v3, vm0, $0xb8;
	[tilespmem:$0x18C00] =	vst v63  }
0x19a: {  	s30 =	simm.s32 $0x6  }
0x19b: {  	_ =	swait.ge [sflag:s30], $0x8000  }
0x19c: {  	[sflag:s30] =	ssyncset.done $0x0  }
0x19d: {  	[sflag:s30] =	ssyncadd.s32 $0xFFFF8000  }
0x19e: {  	v3 =	vld [tilespmem:$0x280];
	_ =	sdelay $0x4  }
0x19f: {  	v53 =	vshll.u32 v3, $0x4  }
0x1a0: {  	v3 =	vand.u32 $0x7, v3;
	v4 =	vand.u32 $0xFFFFFF80, v53  }
0x1a1: {  	v3 =	vor.u32 v3, v4  }
0x1a2: {  	v4 =	vperm.xlane v3, v0;
	_ =	sdelay $0x1  }
0x1a3: {  	v4 =	vadd.s32 v1, v4;
	_ =	sdelay $0x3  }
0x1a4: {  	s22 =	simm.s32 $0x10C00  }
0x1a5: {  	[tilespmem:s22], [sflag:$0x3] =	stream.indirect_vreg.gather [hbm4b:s0+s5], $0x80, v4, vm0, $0xb8;
	[tilespmem:$0x18C00] =	vst v63  }
0x1a6: {  	s22 =	simm.s32 $0x11400  }
0x1a7: {  	[tilespmem:s22], [sflag:$0x3] =	stream.indirect_vreg.gather [hbm4b:s25+s5], $0x80, v4, vm0, $0xb8;
	[tilespmem:$0x18C00] =	vst v63  }
0x1a8: {  	_ = 	snop  }
0x1a9: {  	[tilespmem:s21], [sflag:$0x3] =	stream.indirect_vreg.gather [hbm4b:s8+s5], $0x80, v4, vm0, $0xb8;
	[tilespmem:$0x18C00] =	vst v63  }
0x1aa: {  	s21 =	simm.s32 $0x12400  }
0x1ab: {  	[tilespmem:s21], [sflag:$0x3] =	stream.indirect_vreg.gather [hbm4b:s9+s5], $0x80, v4, vm0, $0xb8;
	[tilespmem:$0x18C00] =	vst v63  }
0x1ac: {  	s2 =	simm.s32 $0x12C00  }
0x1ad: {  	[tilespmem:s2], [sflag:$0x3] =	stream.indirect_vreg.gather [hbm4b:s10+s5], $0x80, v4, vm0, $0xb8;
	[tilespmem:$0x18C00] =	vst v63  }
0x1ae: {  	v3 =	vperm.xlane v3, v2;
	s22 =	simm.s32 $0x13400  }
0x1af: {  	[tilespmem:s22], [sflag:$0x3] =	stream.indirect_vreg.gather [hbm4b:s11+s5], $0x80, v4, vm0, $0xb8;
	[tilespmem:$0x18C00] =	vst v63  }
0x1b0: {  	v3 =	vadd.s32 v1, v3  }
0x1b1: {  	[tilespmem:s23], [sflag:$0x3] =	stream.indirect_vreg.gather [hbm4b:s12+s5], $0x80, v4, vm0, $0xb8;
	[tilespmem:$0x18C00] =	vst v63  }
0x1b2: {  	_ = 	snop  }
0x1b3: {  	[tilespmem:s24], [sflag:$0x3] =	stream.indirect_vreg.gather [hbm4b:s13+s5], $0x80, v4, vm0, $0xb8;
	[tilespmem:$0x18C00] =	vst v63  }
0x1b4: {  	_ = 	snop  }
0x1b5: {  	[tilespmem:s26], [sflag:$0x3] =	stream.indirect_vreg.gather [hbm4b:s0+s5], $0x80, v3, vm0, $0xb8;
	[tilespmem:$0x18C00] =	vst v63  }
0x1b6: {  	_ = 	snop  }
0x1b7: {  	[tilespmem:s28], [sflag:$0x3] =	stream.indirect_vreg.gather [hbm4b:s25+s5], $0x80, v3, vm0, $0xb8;
	[tilespmem:$0x18C00] =	vst v63  }
0x1b8: {  	_ = 	snop  }
0x1b9: {  	[tilespmem:s29], [sflag:$0x3] =	stream.indirect_vreg.gather [hbm4b:s8+s5], $0x80, v3, vm0, $0xb8;
	[tilespmem:$0x18C00] =	vst v63  }
0x1ba: {  	_ = 	snop  }
0x1bb: {  	[tilespmem:s4], [sflag:$0x3] =	stream.indirect_vreg.gather [hbm4b:s9+s5], $0x80, v3, vm0, $0xb8;
	[tilespmem:$0x18C00] =	vst v63  }
0x1bc: {  	s23 =	simm.s32 $0x16C00  }
0x1bd: {  	[tilespmem:s23], [sflag:$0x3] =	stream.indirect_vreg.gather [hbm4b:s10+s5], $0x80, v3, vm0, $0xb8;
	[tilespmem:$0x18C00] =	vst v63  }
0x1be: {  	s24 =	simm.s32 $0x17400  }
0x1bf: {  	[tilespmem:s24], [sflag:$0x3] =	stream.indirect_vreg.gather [hbm4b:s11+s5], $0x80, v3, vm0, $0xb8;
	[tilespmem:$0x18C00] =	vst v63  }
0x1c0: {  	s26 =	simm.s32 $0x17C00  }
0x1c1: {  	[tilespmem:s26], [sflag:$0x3] =	stream.indirect_vreg.gather [hbm4b:s12+s5], $0x80, v3, vm0, $0xb8;
	[tilespmem:$0x18C00] =	vst v63  }
0x1c2: {  	s4 =	simm.s32 $0x18400  }
0x1c3: {  	[tilespmem:s4], [sflag:$0x3] =	stream.indirect_vreg.gather [hbm4b:s13+s5], $0x80, v3, vm0, $0xb8;
	[tilespmem:$0x18C00] =	vst v63  }
0x1c4: {  	_ =	swait.ge [sflag:s1], $0x8000  }
0x1c5: {  	[sflag:s1] =	ssyncset.done $0x0  }
0x1c6: {  	[sflag:s1] =	ssyncadd.s32 $0xFFFF8000  }
0x1c7: {  	v3 =	vld [tilespmem:$0x600];
	_ =	sdelay $0x4  }
0x1c8: {  	v54 =	vshll.u32 v3, $0x4  }
0x1c9: {  	v3 =	vand.u32 $0x7, v3;
	v4 =	vand.u32 $0xFFFFFF80, v54  }
0x1ca: {  	v3 =	vor.u32 v3, v4  }
0x1cb: {  	v4 =	vperm.xlane v3, v0;
	_ =	sdelay $0x1  }
0x1cc: {  	v4 =	vadd.s32 v1, v4;
	_ =	sdelay $0x3  }
0x1cd: {  	s28 =	simm.s32 $0x8C00  }
0x1ce: {  	[hbm4b:s7+s5] =	stream.indirect_vreg.scatter [tilespmem:s28], [sflag:$0x5], $0x80, v4, vm0, $0xb8;
	[tilespmem:$0x18C00] =	vst v63  }
0x1cf: {  	s29 =	simm.s32 $0x9400  }
0x1d0: {  	[hbm4b:s14+s5] =	stream.indirect_vreg.scatter [tilespmem:s29], [sflag:$0x5], $0x80, v4, vm0, $0xb8;
	[tilespmem:$0x18C00] =	vst v63  }
0x1d1: {  	s21 =	simm.s32 $0x9C00  }
0x1d2: {  	[hbm4b:s15+s5] =	stream.indirect_vreg.scatter [tilespmem:s21], [sflag:$0x5], $0x80, v4, vm0, $0xb8;
	[tilespmem:$0x18C00] =	vst v63  }
0x1d3: {  	s22 =	simm.s32 $0xA400  }
0x1d4: {  	[hbm4b:s16+s5] =	stream.indirect_vreg.scatter [tilespmem:s22], [sflag:$0x5], $0x80, v4, vm0, $0xb8;
	[tilespmem:$0x18C00] =	vst v63  }
0x1d5: {  	s23 =	simm.s32 $0xAC00  }
0x1d6: {  	[hbm4b:s17+s5] =	stream.indirect_vreg.scatter [tilespmem:s23], [sflag:$0x5], $0x80, v4, vm0, $0xb8;
	[tilespmem:$0x18C00] =	vst v63  }
0x1d7: {  	s24 =	simm.s32 $0xB400;
	v3 =	vperm.xlane v3, v2  }
0x1d8: {  	[hbm4b:s18+s5] =	stream.indirect_vreg.scatter [tilespmem:s24], [sflag:$0x5], $0x80, v4, vm0, $0xb8;
	[tilespmem:$0x18C00] =	vst v63  }
0x1d9: {  	s26 =	simm.s32 $0xBC00;
	v3 =	vadd.s32 v1, v3  }
0x1da: {  	[hbm4b:s19+s5] =	stream.indirect_vreg.scatter [tilespmem:s26], [sflag:$0x5], $0x80, v4, vm0, $0xb8;
	[tilespmem:$0x18C00] =	vst v63  }
0x1db: {  	s28 =	simm.s32 $0xC400  }
0x1dc: {  	[hbm4b:s20+s5] =	stream.indirect_vreg.scatter [tilespmem:s28], [sflag:$0x5], $0x80, v4, vm0, $0xb8;
	[tilespmem:$0x18C00] =	vst v63  }
0x1dd: {  	s29 =	simm.s32 $0xCC00  }
0x1de: {  	[hbm4b:s7+s5] =	stream.indirect_vreg.scatter [tilespmem:s29], [sflag:$0x5], $0x80, v3, vm0, $0xb8;
	[tilespmem:$0x18C00] =	vst v63  }
0x1df: {  	s21 =	simm.s32 $0xD400  }
0x1e0: {  	[hbm4b:s14+s5] =	stream.indirect_vreg.scatter [tilespmem:s21], [sflag:$0x5], $0x80, v3, vm0, $0xb8;
	[tilespmem:$0x18C00] =	vst v63  }
0x1e1: {  	s22 =	simm.s32 $0xDC00  }
0x1e2: {  	[hbm4b:s15+s5] =	stream.indirect_vreg.scatter [tilespmem:s22], [sflag:$0x5], $0x80, v3, vm0, $0xb8;
	[tilespmem:$0x18C00] =	vst v63  }
0x1e3: {  	s23 =	simm.s32 $0xE400  }
0x1e4: {  	[hbm4b:s16+s5] =	stream.indirect_vreg.scatter [tilespmem:s23], [sflag:$0x5], $0x80, v3, vm0, $0xb8;
	[tilespmem:$0x18C00] =	vst v63  }
0x1e5: {  	s24 =	simm.s32 $0xEC00  }
0x1e6: {  	[hbm4b:s17+s5] =	stream.indirect_vreg.scatter [tilespmem:s24], [sflag:$0x5], $0x80, v3, vm0, $0xb8;
	[tilespmem:$0x18C00] =	vst v63  }
0x1e7: {  	s26 =	simm.s32 $0xF400  }
0x1e8: {  	[hbm4b:s18+s5] =	stream.indirect_vreg.scatter [tilespmem:s26], [sflag:$0x5], $0x80, v3, vm0, $0xb8;
	[tilespmem:$0x18C00] =	vst v63  }
0x1e9: {  	s28 =	simm.s32 $0xFC00  }
0x1ea: {  	[hbm4b:s19+s5] =	stream.indirect_vreg.scatter [tilespmem:s28], [sflag:$0x5], $0x80, v3, vm0, $0xb8;
	[tilespmem:$0x18C00] =	vst v63  }
0x1eb: {  	s29 =	simm.s32 $0x10400  }
0x1ec: {  	[hbm4b:s20+s5] =	stream.indirect_vreg.scatter [tilespmem:s29], [sflag:$0x5], $0x80, v3, vm0, $0xb8;
	[tilespmem:$0x18C00] =	vst v63  }
0x1ed: {  	_ =	swait.ge [sflag:s6], $0x8000  }
0x1ee: {  	[sflag:s6] =	ssyncset.done $0x0  }
0x1ef: {  	[sflag:s6] =	ssyncadd.s32 $0xFFFF8000  }
0x1f0: {  	v3 =	vld [tilespmem:$0x800];
	_ =	sdelay $0x4  }
0x1f1: {  	v55 =	vshll.u32 v3, $0x4  }
0x1f2: {  	v3 =	vand.u32 $0x7, v3;
	v4 =	vand.u32 $0xFFFFFF80, v55  }
0x1f3: {  	v3 =	vor.u32 v3, v4  }
0x1f4: {  	v4 =	vperm.xlane v3, v0;
	_ =	sdelay $0x1  }
0x1f5: {  	v4 =	vadd.s32 v1, v4;
	_ =	sdelay $0x3  }
0x1f6: {  	s21 =	simm.s32 $0xC00;
	s0 =	rddreg [dreg:$0x1]  }
0x1f7: {  	[tilespmem:s21], [sflag:$0x1] =	stream.indirect_vreg.gather [hbm4b:s0+s5], $0x80, v4, vm0, $0xb8;
	[tilespmem:$0x18C00] =	vst v63  }
0x1f8: {  	s22 =	simm.s32 $0x1400;
	s21 =	rddreg [dreg:$0xd]  }
0x1f9: {  	[tilespmem:s22], [sflag:$0x1] =	stream.indirect_vreg.gather [hbm4b:s21+s5], $0x80, v4, vm0, $0xb8;
	[tilespmem:$0x18C00] =	vst v63  }
0x1fa: {  	s23 =	simm.s32 $0x1C00;
	s22 =	rddreg [dreg:$0xe]  }
0x1fb: {  	[tilespmem:s23], [sflag:$0x1] =	stream.indirect_vreg.gather [hbm4b:s22+s5], $0x80, v4, vm0, $0xb8;
	[tilespmem:$0x18C00] =	vst v63  }
0x1fc: {  	s24 =	simm.s32 $0x2400;
	s23 =	rddreg [dreg:$0xf]  }
0x1fd: {  	[tilespmem:s24], [sflag:$0x1] =	stream.indirect_vreg.gather [hbm4b:s23+s5], $0x80, v4, vm0, $0xb8;
	[tilespmem:$0x18C00] =	vst v63  }
0x1fe: {  	s26 =	simm.s32 $0x2C00;
	s24 =	rddreg [dreg:$0x10]  }
0x1ff: {  	[tilespmem:s26], [sflag:$0x1] =	stream.indirect_vreg.gather [hbm4b:s24+s5], $0x80, v4, vm0, $0xb8;
	[tilespmem:$0x18C00] =	vst v63  }
0x200: {  	s28 =	simm.s32 $0x3400;
	v3 =	vperm.xlane v3, v2;
	s26 =	rddreg [dreg:$0x11]  }
0x201: {  	[tilespmem:s28], [sflag:$0x1] =	stream.indirect_vreg.gather [hbm4b:s26+s5], $0x80, v4, vm0, $0xb8;
	[tilespmem:$0x18C00] =	vst v63  }
0x202: {  	s29 =	simm.s32 $0x3C00;
	v3 =	vadd.s32 v1, v3;
	s28 =	rddreg [dreg:$0x12]  }
0x203: {  	[tilespmem:s29], [sflag:$0x1] =	stream.indirect_vreg.gather [hbm4b:s28+s5], $0x80, v4, vm0, $0xb8;
	[tilespmem:$0x18C00] =	vst v63  }
0x204: {  	s6 =	simm.s32 $0x4400;
	s29 =	rddreg [dreg:$0x13]  }
0x205: {  	[tilespmem:s6], [sflag:$0x1] =	stream.indirect_vreg.gather [hbm4b:s29+s5], $0x80, v4, vm0, $0xb8;
	[tilespmem:$0x18C00] =	vst v63  }
0x206: {  	s6 =	simm.s32 $0x4C00  }
0x207: {  	[tilespmem:s6], [sflag:$0x1] =	stream.indirect_vreg.gather [hbm4b:s0+s5], $0x80, v3, vm0, $0xb8;
	[tilespmem:$0x18C00] =	vst v63  }
0x208: {  	s6 =	simm.s32 $0x5400  }
0x209: {  	[tilespmem:s6], [sflag:$0x1] =	stream.indirect_vreg.gather [hbm4b:s21+s5], $0x80, v3, vm0, $0xb8;
	[tilespmem:$0x18C00] =	vst v63  }
0x20a: {  	s6 =	simm.s32 $0x5C00  }
0x20b: {  	[tilespmem:s6], [sflag:$0x1] =	stream.indirect_vreg.gather [hbm4b:s22+s5], $0x80, v3, vm0, $0xb8;
	[tilespmem:$0x18C00] =	vst v63  }
0x20c: {  	_ = 	snop  }
0x20d: {  	[tilespmem:s31], [sflag:$0x1] =	stream.indirect_vreg.gather [hbm4b:s23+s5], $0x80, v3, vm0, $0xb8;
	[tilespmem:$0x18C00] =	vst v63  }
0x20e: {  	s6 =	simm.s32 $0x6C00  }
0x20f: {  	[tilespmem:s6], [sflag:$0x1] =	stream.indirect_vreg.gather [hbm4b:s24+s5], $0x80, v3, vm0, $0xb8;
	[tilespmem:$0x18C00] =	vst v63  }
0x210: {  	s31 =	simm.s32 $0x7400  }
0x211: {  	[tilespmem:s31], [sflag:$0x1] =	stream.indirect_vreg.gather [hbm4b:s26+s5], $0x80, v3, vm0, $0xb8;
	[tilespmem:$0x18C00] =	vst v63  }
0x212: {  	s3 =	simm.s32 $0x7C00  }
0x213: {  	[tilespmem:s3], [sflag:$0x1] =	stream.indirect_vreg.gather [hbm4b:s28+s5], $0x80, v3, vm0, $0xb8;
	[tilespmem:$0x18C00] =	vst v63  }
0x214: {  	s6 =	simm.s32 $0x8400;
	s3 =	simm.s32 $0x3  }
0x215: {  	[tilespmem:s6], [sflag:$0x1] =	stream.indirect_vreg.gather [hbm4b:s29+s5], $0x80, v3, vm0, $0xb8;
	[tilespmem:$0x18C00] =	vst v63  }
0x216: {  	_ =	swait.ge [sflag:s3], $0x8000  }
0x217: {  	[sflag:s3] =	ssyncset.done $0x0  }
0x218: {  	[sflag:s3] =	ssyncadd.s32 $0xFFFF8000  }
0x219: {  	v3 =	vld [tilespmem:$0x680];
	_ =	sdelay $0x4  }
0x21a: {  	v56 =	vshll.u32 v3, $0x4  }
0x21b: {  	v3 =	vand.u32 $0x7, v3;
	v4 =	vand.u32 $0xFFFFFF80, v56  }
0x21c: {  	v3 =	vor.u32 v3, v4  }
0x21d: {  	v4 =	vperm.xlane v3, v0;
	_ =	sdelay $0x1  }
0x21e: {  	v4 =	vadd.s32 v1, v4;
	_ =	sdelay $0x3  }
0x21f: {  	s6 =	simm.s32 $0x10C00  }
0x220: {  	[hbm4b:s7+s5] =	stream.indirect_vreg.scatter [tilespmem:s6], [sflag:$0x6], $0x80, v4, vm0, $0xb8;
	[tilespmem:$0x18C00] =	vst v63  }
0x221: {  	s6 =	simm.s32 $0x11400  }
0x222: {  	[hbm4b:s14+s5] =	stream.indirect_vreg.scatter [tilespmem:s6], [sflag:$0x6], $0x80, v4, vm0, $0xb8;
	[tilespmem:$0x18C00] =	vst v63  }
0x223: {  	s6 =	simm.s32 $0x11C00  }
0x224: {  	[hbm4b:s15+s5] =	stream.indirect_vreg.scatter [tilespmem:s6], [sflag:$0x6], $0x80, v4, vm0, $0xb8;
	[tilespmem:$0x18C00] =	vst v63  }
0x225: {  	s6 =	simm.s32 $0x12400  }
0x226: {  	[hbm4b:s16+s5] =	stream.indirect_vreg.scatter [tilespmem:s6], [sflag:$0x6], $0x80, v4, vm0, $0xb8;
	[tilespmem:$0x18C00] =	vst v63  }
0x227: {  	_ = 	snop  }
0x228: {  	[hbm4b:s17+s5] =	stream.indirect_vreg.scatter [tilespmem:s2], [sflag:$0x6], $0x80, v4, vm0, $0xb8;
	[tilespmem:$0x18C00] =	vst v63  }
0x229: {  	v3 =	vperm.xlane v3, v2;
	s6 =	simm.s32 $0x13400  }
0x22a: {  	[hbm4b:s18+s5] =	stream.indirect_vreg.scatter [tilespmem:s6], [sflag:$0x6], $0x80, v4, vm0, $0xb8;
	[tilespmem:$0x18C00] =	vst v63  }
0x22b: {  	v3 =	vadd.s32 v1, v3;
	s6 =	simm.s32 $0x13C00  }
0x22c: {  	[hbm4b:s19+s5] =	stream.indirect_vreg.scatter [tilespmem:s6], [sflag:$0x6], $0x80, v4, vm0, $0xb8;
	[tilespmem:$0x18C00] =	vst v63  }
0x22d: {  	s6 =	simm.s32 $0x14400  }
0x22e: {  	[hbm4b:s20+s5] =	stream.indirect_vreg.scatter [tilespmem:s6], [sflag:$0x6], $0x80, v4, vm0, $0xb8;
	[tilespmem:$0x18C00] =	vst v63  }
0x22f: {  	s6 =	simm.s32 $0x14C00  }
0x230: {  	[hbm4b:s7+s5] =	stream.indirect_vreg.scatter [tilespmem:s6], [sflag:$0x6], $0x80, v3, vm0, $0xb8;
	[tilespmem:$0x18C00] =	vst v63  }
0x231: {  	s6 =	simm.s32 $0x15400  }
0x232: {  	[hbm4b:s14+s5] =	stream.indirect_vreg.scatter [tilespmem:s6], [sflag:$0x6], $0x80, v3, vm0, $0xb8;
	[tilespmem:$0x18C00] =	vst v63  }
0x233: {  	s6 =	simm.s32 $0x15C00  }
0x234: {  	[hbm4b:s15+s5] =	stream.indirect_vreg.scatter [tilespmem:s6], [sflag:$0x6], $0x80, v3, vm0, $0xb8;
	[tilespmem:$0x18C00] =	vst v63  }
0x235: {  	s6 =	simm.s32 $0x16400  }
0x236: {  	[hbm4b:s16+s5] =	stream.indirect_vreg.scatter [tilespmem:s6], [sflag:$0x6], $0x80, v3, vm0, $0xb8;
	[tilespmem:$0x18C00] =	vst v63  }
0x237: {  	s6 =	simm.s32 $0x16C00  }
0x238: {  	[hbm4b:s17+s5] =	stream.indirect_vreg.scatter [tilespmem:s6], [sflag:$0x6], $0x80, v3, vm0, $0xb8;
	[tilespmem:$0x18C00] =	vst v63  }
0x239: {  	s6 =	simm.s32 $0x17400  }
0x23a: {  	[hbm4b:s18+s5] =	stream.indirect_vreg.scatter [tilespmem:s6], [sflag:$0x6], $0x80, v3, vm0, $0xb8;
	[tilespmem:$0x18C00] =	vst v63  }
0x23b: {  	s6 =	simm.s32 $0x17C00  }
0x23c: {  	[hbm4b:s19+s5] =	stream.indirect_vreg.scatter [tilespmem:s6], [sflag:$0x6], $0x80, v3, vm0, $0xb8;
	[tilespmem:$0x18C00] =	vst v63  }
0x23d: {  	s2 =	simm.s32 $0x5  }
0x23e: {  	[hbm4b:s20+s5] =	stream.indirect_vreg.scatter [tilespmem:s4], [sflag:$0x6], $0x80, v3, vm0, $0xb8;
	[tilespmem:$0x18C00] =	vst v63  }
0x23f: {  	_ =	swait.ge [sflag:s2], $0x8000  }
0x240: {  	[sflag:s2] =	ssyncset.done $0x0  }
0x241: {  	[sflag:s2] =	ssyncadd.s32 $0xFFFF8000  }
0x242: {  	v3 =	vld [tilespmem:$0x880];
	_ =	sdelay $0x4  }
0x243: {  	v57 =	vshll.u32 v3, $0x4  }
0x244: {  	v3 =	vand.u32 $0x7, v3;
	v4 =	vand.u32 $0xFFFFFF80, v57  }
0x245: {  	v3 =	vor.u32 v3, v4  }
0x246: {  	v4 =	vperm.xlane v3, v0;
	_ =	sdelay $0x1  }
0x247: {  	v4 =	vadd.s32 v1, v4;
	_ =	sdelay $0x3  }
0x248: {  	s2 =	simm.s32 $0x8C00  }
0x249: {  	[tilespmem:s2], [sflag:$0x2] =	stream.indirect_vreg.gather [hbm4b:s0+s5], $0x80, v4, vm0, $0xb8;
	[tilespmem:$0x18C00] =	vst v63  }
0x24a: {  	s2 =	simm.s32 $0x9400  }
0x24b: {  	[tilespmem:s2], [sflag:$0x2] =	stream.indirect_vreg.gather [hbm4b:s21+s5], $0x80, v4, vm0, $0xb8;
	[tilespmem:$0x18C00] =	vst v63  }
0x24c: {  	s2 =	simm.s32 $0x9C00  }
0x24d: {  	[tilespmem:s2], [sflag:$0x2] =	stream.indirect_vreg.gather [hbm4b:s22+s5], $0x80, v4, vm0, $0xb8;
	[tilespmem:$0x18C00] =	vst v63  }
0x24e: {  	s2 =	simm.s32 $0xA400  }
0x24f: {  	[tilespmem:s2], [sflag:$0x2] =	stream.indirect_vreg.gather [hbm4b:s23+s5], $0x80, v4, vm0, $0xb8;
	[tilespmem:$0x18C00] =	vst v63  }
0x250: {  	s2 =	simm.s32 $0xAC00  }
0x251: {  	[tilespmem:s2], [sflag:$0x2] =	stream.indirect_vreg.gather [hbm4b:s24+s5], $0x80, v4, vm0, $0xb8;
	[tilespmem:$0x18C00] =	vst v63  }
0x252: {  	v3 =	vperm.xlane v3, v2;
	s2 =	simm.s32 $0xB400  }
0x253: {  	[tilespmem:s2], [sflag:$0x2] =	stream.indirect_vreg.gather [hbm4b:s26+s5], $0x80, v4, vm0, $0xb8;
	[tilespmem:$0x18C00] =	vst v63  }
0x254: {  	v3 =	vadd.s32 v1, v3;
	s2 =	simm.s32 $0xBC00  }
0x255: {  	[tilespmem:s2], [sflag:$0x2] =	stream.indirect_vreg.gather [hbm4b:s28+s5], $0x80, v4, vm0, $0xb8;
	[tilespmem:$0x18C00] =	vst v63  }
0x256: {  	s2 =	simm.s32 $0xC400  }
0x257: {  	[tilespmem:s2], [sflag:$0x2] =	stream.indirect_vreg.gather [hbm4b:s29+s5], $0x80, v4, vm0, $0xb8;
	[tilespmem:$0x18C00] =	vst v63  }
0x258: {  	s2 =	simm.s32 $0xCC00  }
0x259: {  	[tilespmem:s2], [sflag:$0x2] =	stream.indirect_vreg.gather [hbm4b:s0+s5], $0x80, v3, vm0, $0xb8;
	[tilespmem:$0x18C00] =	vst v63  }
0x25a: {  	s2 =	simm.s32 $0xD400  }
0x25b: {  	[tilespmem:s2], [sflag:$0x2] =	stream.indirect_vreg.gather [hbm4b:s21+s5], $0x80, v3, vm0, $0xb8;
	[tilespmem:$0x18C00] =	vst v63  }
0x25c: {  	s2 =	simm.s32 $0xDC00  }
0x25d: {  	[tilespmem:s2], [sflag:$0x2] =	stream.indirect_vreg.gather [hbm4b:s22+s5], $0x80, v3, vm0, $0xb8;
	[tilespmem:$0x18C00] =	vst v63  }
0x25e: {  	s2 =	simm.s32 $0xE400  }
0x25f: {  	[tilespmem:s2], [sflag:$0x2] =	stream.indirect_vreg.gather [hbm4b:s23+s5], $0x80, v3, vm0, $0xb8;
	[tilespmem:$0x18C00] =	vst v63  }
0x260: {  	s2 =	simm.s32 $0xEC00  }
0x261: {  	[tilespmem:s2], [sflag:$0x2] =	stream.indirect_vreg.gather [hbm4b:s24+s5], $0x80, v3, vm0, $0xb8;
	[tilespmem:$0x18C00] =	vst v63  }
0x262: {  	s2 =	simm.s32 $0xF400  }
0x263: {  	[tilespmem:s2], [sflag:$0x2] =	stream.indirect_vreg.gather [hbm4b:s26+s5], $0x80, v3, vm0, $0xb8;
	[tilespmem:$0x18C00] =	vst v63  }
0x264: {  	s2 =	simm.s32 $0xFC00  }
0x265: {  	[tilespmem:s2], [sflag:$0x2] =	stream.indirect_vreg.gather [hbm4b:s28+s5], $0x80, v3, vm0, $0xb8;
	[tilespmem:$0x18C00] =	vst v63  }
0x266: {  	s2 =	simm.s32 $0x10400  }
0x267: {  	[tilespmem:s2], [sflag:$0x2] =	stream.indirect_vreg.gather [hbm4b:s29+s5], $0x80, v3, vm0, $0xb8;
	[tilespmem:$0x18C00] =	vst v63  }
0x268: {  	s2 =	simm.s32 $0x1  }
0x269: {  	_ =	swait.ge [sflag:s2], $0x8000  }
0x26a: {  	[sflag:s2] =	ssyncset.done $0x0  }
0x26b: {  	[sflag:s2] =	ssyncadd.s32 $0xFFFF8000  }
0x26c: {  	v3 =	vld [tilespmem:$0xA00];
	_ =	sdelay $0x4  }
0x26d: {  	v58 =	vshll.u32 v3, $0x4  }
0x26e: {  	v3 =	vand.u32 $0x7, v3;
	v4 =	vand.u32 $0xFFFFFF80, v58  }
0x26f: {  	v3 =	vor.u32 v3, v4  }
0x270: {  	v4 =	vperm.xlane v3, v0;
	_ =	sdelay $0x1  }
0x271: {  	v4 =	vadd.s32 v1, v4;
	_ =	sdelay $0x3  }
0x272: {  	s4 =	simm.s32 $0xC00  }
0x273: {  	[hbm4b:s7+s5] =	stream.indirect_vreg.scatter [tilespmem:s4], [sflag:$0x4], $0x80, v4, vm0, $0xb8;
	[tilespmem:$0x18C00] =	vst v63  }
0x274: {  	s4 =	simm.s32 $0x1400  }
0x275: {  	[hbm4b:s14+s5] =	stream.indirect_vreg.scatter [tilespmem:s4], [sflag:$0x4], $0x80, v4, vm0, $0xb8;
	[tilespmem:$0x18C00] =	vst v63  }
0x276: {  	s2 =	simm.s32 $0x1C00  }
0x277: {  	[hbm4b:s15+s5] =	stream.indirect_vreg.scatter [tilespmem:s2], [sflag:$0x4], $0x80, v4, vm0, $0xb8;
	[tilespmem:$0x18C00] =	vst v63  }
0x278: {  	s2 =	simm.s32 $0x2400  }
0x279: {  	[hbm4b:s16+s5] =	stream.indirect_vreg.scatter [tilespmem:s2], [sflag:$0x4], $0x80, v4, vm0, $0xb8;
	[tilespmem:$0x18C00] =	vst v63  }
0x27a: {  	s4 =	simm.s32 $0x2C00  }
0x27b: {  	[hbm4b:s17+s5] =	stream.indirect_vreg.scatter [tilespmem:s4], [sflag:$0x4], $0x80, v4, vm0, $0xb8;
	[tilespmem:$0x18C00] =	vst v63  }
0x27c: {  	v3 =	vperm.xlane v3, v2;
	s4 =	simm.s32 $0x3400  }
0x27d: {  	[hbm4b:s18+s5] =	stream.indirect_vreg.scatter [tilespmem:s4], [sflag:$0x4], $0x80, v4, vm0, $0xb8;
	[tilespmem:$0x18C00] =	vst v63  }
0x27e: {  	v3 =	vadd.s32 v1, v3;
	s2 =	simm.s32 $0x3C00  }
0x27f: {  	[hbm4b:s19+s5] =	stream.indirect_vreg.scatter [tilespmem:s2], [sflag:$0x4], $0x80, v4, vm0, $0xb8;
	[tilespmem:$0x18C00] =	vst v63  }
0x280: {  	s4 =	simm.s32 $0x4400  }
0x281: {  	[hbm4b:s20+s5] =	stream.indirect_vreg.scatter [tilespmem:s4], [sflag:$0x4], $0x80, v4, vm0, $0xb8;
	[tilespmem:$0x18C00] =	vst v63  }
0x282: {  	s4 =	simm.s32 $0x4C00  }
0x283: {  	[hbm4b:s7+s5] =	stream.indirect_vreg.scatter [tilespmem:s4], [sflag:$0x4], $0x80, v3, vm0, $0xb8;
	[tilespmem:$0x18C00] =	vst v63  }
0x284: {  	s4 =	simm.s32 $0x5400  }
0x285: {  	[hbm4b:s14+s5] =	stream.indirect_vreg.scatter [tilespmem:s4], [sflag:$0x4], $0x80, v3, vm0, $0xb8;
	[tilespmem:$0x18C00] =	vst v63  }
0x286: {  	s4 =	simm.s32 $0x5C00  }
0x287: {  	[hbm4b:s15+s5] =	stream.indirect_vreg.scatter [tilespmem:s4], [sflag:$0x4], $0x80, v3, vm0, $0xb8;
	[tilespmem:$0x18C00] =	vst v63  }
0x288: {  	s4 =	simm.s32 $0x6400  }
0x289: {  	[hbm4b:s16+s5] =	stream.indirect_vreg.scatter [tilespmem:s4], [sflag:$0x4], $0x80, v3, vm0, $0xb8;
	[tilespmem:$0x18C00] =	vst v63  }
0x28a: {  	s4 =	simm.s32 $0x6C00  }
0x28b: {  	[hbm4b:s17+s5] =	stream.indirect_vreg.scatter [tilespmem:s4], [sflag:$0x4], $0x80, v3, vm0, $0xb8;
	[tilespmem:$0x18C00] =	vst v63  }
0x28c: {  	_ = 	snop  }
0x28d: {  	[hbm4b:s18+s5] =	stream.indirect_vreg.scatter [tilespmem:s31], [sflag:$0x4], $0x80, v3, vm0, $0xb8;
	[tilespmem:$0x18C00] =	vst v63  }
0x28e: {  	s4 =	simm.s32 $0x7C00  }
0x28f: {  	[hbm4b:s19+s5] =	stream.indirect_vreg.scatter [tilespmem:s4], [sflag:$0x4], $0x80, v3, vm0, $0xb8;
	[tilespmem:$0x18C00] =	vst v63  }
0x290: {  	s31 =	simm.s32 $0x8400  }
0x291: {  	[hbm4b:s20+s5] =	stream.indirect_vreg.scatter [tilespmem:s31], [sflag:$0x4], $0x80, v3, vm0, $0xb8;
	[tilespmem:$0x18C00] =	vst v63  }
0x292: {  	_ =	swait.ge [sflag:s30], $0x8000  }
0x293: {  	[sflag:s30] =	ssyncset.done $0x0  }
0x294: {  	[sflag:s30] =	ssyncadd.s32 $0xFFFF8000  }
0x295: {  	v3 =	vld [tilespmem:$0x900];
	_ =	sdelay $0x4  }
0x296: {  	v59 =	vshll.u32 v3, $0x4  }
0x297: {  	v3 =	vand.u32 $0x7, v3;
	v4 =	vand.u32 $0xFFFFFF80, v59  }
0x298: {  	v3 =	vor.u32 v3, v4  }
0x299: {  	v4 =	vperm.xlane v3, v0;
	_ =	sdelay $0x1  }
0x29a: {  	v4 =	vadd.s32 v1, v4;
	_ =	sdelay $0x3  }
0x29b: {  	s3 =	simm.s32 $0x10C00  }
0x29c: {  	[tilespmem:s3], [sflag:$0x3] =	stream.indirect_vreg.gather [hbm4b:s0+s5], $0x80, v4, vm0, $0xb8;
	[tilespmem:$0x18C00] =	vst v63  }
0x29d: {  	s3 =	simm.s32 $0x11400  }
0x29e: {  	[tilespmem:s3], [sflag:$0x3] =	stream.indirect_vreg.gather [hbm4b:s21+s5], $0x80, v4, vm0, $0xb8;
	[tilespmem:$0x18C00] =	vst v63  }
0x29f: {  	s4 =	simm.s32 $0x11C00  }
0x2a0: {  	[tilespmem:s4], [sflag:$0x3] =	stream.indirect_vreg.gather [hbm4b:s22+s5], $0x80, v4, vm0, $0xb8;
	[tilespmem:$0x18C00] =	vst v63  }
0x2a1: {  	s31 =	simm.s32 $0x12400  }
0x2a2: {  	[tilespmem:s31], [sflag:$0x3] =	stream.indirect_vreg.gather [hbm4b:s23+s5], $0x80, v4, vm0, $0xb8;
	[tilespmem:$0x18C00] =	vst v63  }
0x2a3: {  	s3 =	simm.s32 $0x12C00  }
0x2a4: {  	[tilespmem:s3], [sflag:$0x3] =	stream.indirect_vreg.gather [hbm4b:s24+s5], $0x80, v4, vm0, $0xb8;
	[tilespmem:$0x18C00] =	vst v63  }
0x2a5: {  	v3 =	vperm.xlane v3, v2;
	s4 =	simm.s32 $0x13400  }
0x2a6: {  	[tilespmem:s4], [sflag:$0x3] =	stream.indirect_vreg.gather [hbm4b:s26+s5], $0x80, v4, vm0, $0xb8;
	[tilespmem:$0x18C00] =	vst v63  }
0x2a7: {  	v3 =	vadd.s32 v1, v3;
	s31 =	simm.s32 $0x13C00  }
0x2a8: {  	[tilespmem:s31], [sflag:$0x3] =	stream.indirect_vreg.gather [hbm4b:s28+s5], $0x80, v4, vm0, $0xb8;
	[tilespmem:$0x18C00] =	vst v63  }
0x2a9: {  	s31 =	simm.s32 $0x14400  }
0x2aa: {  	[tilespmem:s31], [sflag:$0x3] =	stream.indirect_vreg.gather [hbm4b:s29+s5], $0x80, v4, vm0, $0xb8;
	[tilespmem:$0x18C00] =	vst v63  }
0x2ab: {  	s3 =	simm.s32 $0x14C00  }
0x2ac: {  	[tilespmem:s3], [sflag:$0x3] =	stream.indirect_vreg.gather [hbm4b:s0+s5], $0x80, v3, vm0, $0xb8;
	[tilespmem:$0x18C00] =	vst v63  }
0x2ad: {  	s4 =	simm.s32 $0x15400  }
0x2ae: {  	[tilespmem:s4], [sflag:$0x3] =	stream.indirect_vreg.gather [hbm4b:s21+s5], $0x80, v3, vm0, $0xb8;
	[tilespmem:$0x18C00] =	vst v63  }
0x2af: {  	s3 =	simm.s32 $0x15C00  }
0x2b0: {  	[tilespmem:s3], [sflag:$0x3] =	stream.indirect_vreg.gather [hbm4b:s22+s5], $0x80, v3, vm0, $0xb8;
	[tilespmem:$0x18C00] =	vst v63  }
0x2b1: {  	s4 =	simm.s32 $0x16400  }
0x2b2: {  	[tilespmem:s4], [sflag:$0x3] =	stream.indirect_vreg.gather [hbm4b:s23+s5], $0x80, v3, vm0, $0xb8;
	[tilespmem:$0x18C00] =	vst v63  }
0x2b3: {  	s3 =	simm.s32 $0x16C00  }
0x2b4: {  	[tilespmem:s3], [sflag:$0x3] =	stream.indirect_vreg.gather [hbm4b:s24+s5], $0x80, v3, vm0, $0xb8;
	[tilespmem:$0x18C00] =	vst v63  }
0x2b5: {  	s4 =	simm.s32 $0x17400  }
0x2b6: {  	[tilespmem:s4], [sflag:$0x3] =	stream.indirect_vreg.gather [hbm4b:s26+s5], $0x80, v3, vm0, $0xb8;
	[tilespmem:$0x18C00] =	vst v63  }
0x2b7: {  	s3 =	simm.s32 $0x17C00  }
0x2b8: {  	[tilespmem:s3], [sflag:$0x3] =	stream.indirect_vreg.gather [hbm4b:s28+s5], $0x80, v3, vm0, $0xb8;
	[tilespmem:$0x18C00] =	vst v63  }
0x2b9: {  	s6 =	simm.s32 $0x18400  }
0x2ba: {  	[tilespmem:s6], [sflag:$0x3] =	stream.indirect_vreg.gather [hbm4b:s29+s5], $0x80, v3, vm0, $0xb8;
	[tilespmem:$0x18C00] =	vst v63  }
0x2bb: {  	_ =	swait.ge [sflag:s1], $0x8000  }
0x2bc: {  	[sflag:s1] =	ssyncset.done $0x0  }
0x2bd: {  	[sflag:s1] =	ssyncadd.s32 $0xFFFF8000  }
0x2be: {  	v3 =	vld [tilespmem:$0xA80];
	_ =	sdelay $0x4  }
0x2bf: {  	v60 =	vshll.u32 v3, $0x4  }
0x2c0: {  	v3 =	vand.u32 $0x7, v3;
	v4 =	vand.u32 $0xFFFFFF80, v60  }
0x2c1: {  	v3 =	vor.u32 v3, v4  }
0x2c2: {  	v4 =	vperm.xlane v3, v0;
	_ =	sdelay $0x1  }
0x2c3: {  	v4 =	vadd.s32 v1, v4;
	_ =	sdelay $0x3  }
0x2c4: {  	s4 =	simm.s32 $0x8C00  }
0x2c5: {  	[hbm4b:s7+s5] =	stream.indirect_vreg.scatter [tilespmem:s4], [sflag:$0x5], $0x80, v4, vm0, $0xb8;
	[tilespmem:$0x18C00] =	vst v63  }
0x2c6: {  	s6 =	simm.s32 $0x9400  }
0x2c7: {  	[hbm4b:s14+s5] =	stream.indirect_vreg.scatter [tilespmem:s6], [sflag:$0x5], $0x80, v4, vm0, $0xb8;
	[tilespmem:$0x18C00] =	vst v63  }
0x2c8: {  	s2 =	simm.s32 $0x9C00  }
0x2c9: {  	[hbm4b:s15+s5] =	stream.indirect_vreg.scatter [tilespmem:s2], [sflag:$0x5], $0x80, v4, vm0, $0xb8;
	[tilespmem:$0x18C00] =	vst v63  }
0x2ca: {  	s3 =	simm.s32 $0xA400  }
0x2cb: {  	[hbm4b:s16+s5] =	stream.indirect_vreg.scatter [tilespmem:s3], [sflag:$0x5], $0x80, v4, vm0, $0xb8;
	[tilespmem:$0x18C00] =	vst v63  }
0x2cc: {  	s4 =	simm.s32 $0xAC00  }
0x2cd: {  	[hbm4b:s17+s5] =	stream.indirect_vreg.scatter [tilespmem:s4], [sflag:$0x5], $0x80, v4, vm0, $0xb8;
	[tilespmem:$0x18C00] =	vst v63  }
0x2ce: {  	v3 =	vperm.xlane v3, v2;
	s6 =	simm.s32 $0xB400  }
0x2cf: {  	[hbm4b:s18+s5] =	stream.indirect_vreg.scatter [tilespmem:s6], [sflag:$0x5], $0x80, v4, vm0, $0xb8;
	[tilespmem:$0x18C00] =	vst v63  }
0x2d0: {  	v3 =	vadd.s32 v1, v3;
	s2 =	simm.s32 $0xBC00  }
0x2d1: {  	[hbm4b:s19+s5] =	stream.indirect_vreg.scatter [tilespmem:s2], [sflag:$0x5], $0x80, v4, vm0, $0xb8;
	[tilespmem:$0x18C00] =	vst v63  }
0x2d2: {  	s3 =	simm.s32 $0xC400  }
0x2d3: {  	[hbm4b:s20+s5] =	stream.indirect_vreg.scatter [tilespmem:s3], [sflag:$0x5], $0x80, v4, vm0, $0xb8;
	[tilespmem:$0x18C00] =	vst v63  }
0x2d4: {  	s4 =	simm.s32 $0xCC00  }
0x2d5: {  	[hbm4b:s7+s5] =	stream.indirect_vreg.scatter [tilespmem:s4], [sflag:$0x5], $0x80, v3, vm0, $0xb8;
	[tilespmem:$0x18C00] =	vst v63  }
0x2d6: {  	s6 =	simm.s32 $0xD400  }
0x2d7: {  	[hbm4b:s14+s5] =	stream.indirect_vreg.scatter [tilespmem:s6], [sflag:$0x5], $0x80, v3, vm0, $0xb8;
	[tilespmem:$0x18C00] =	vst v63  }
0x2d8: {  	s2 =	simm.s32 $0xDC00  }
0x2d9: {  	[hbm4b:s15+s5] =	stream.indirect_vreg.scatter [tilespmem:s2], [sflag:$0x5], $0x80, v3, vm0, $0xb8;
	[tilespmem:$0x18C00] =	vst v63  }
0x2da: {  	s3 =	simm.s32 $0xE400  }
0x2db: {  	[hbm4b:s16+s5] =	stream.indirect_vreg.scatter [tilespmem:s3], [sflag:$0x5], $0x80, v3, vm0, $0xb8;
	[tilespmem:$0x18C00] =	vst v63  }
0x2dc: {  	s4 =	simm.s32 $0xEC00  }
0x2dd: {  	[hbm4b:s17+s5] =	stream.indirect_vreg.scatter [tilespmem:s4], [sflag:$0x5], $0x80, v3, vm0, $0xb8;
	[tilespmem:$0x18C00] =	vst v63  }
0x2de: {  	s6 =	simm.s32 $0xF400  }
0x2df: {  	[hbm4b:s18+s5] =	stream.indirect_vreg.scatter [tilespmem:s6], [sflag:$0x5], $0x80, v3, vm0, $0xb8;
	[tilespmem:$0x18C00] =	vst v63  }
0x2e0: {  	s2 =	simm.s32 $0xFC00  }
0x2e1: {  	[hbm4b:s19+s5] =	stream.indirect_vreg.scatter [tilespmem:s2], [sflag:$0x5], $0x80, v3, vm0, $0xb8;
	[tilespmem:$0x18C00] =	vst v63  }
0x2e2: {  	s3 =	simm.s32 $0x10400;
	s4 =	simm.s32 $0x4  }
0x2e3: {  	[hbm4b:s20+s5] =	stream.indirect_vreg.scatter [tilespmem:s3], [sflag:$0x5], $0x80, v3, vm0, $0xb8;
	[tilespmem:$0x18C00] =	vst v63  }
0x2e4: {  	_ =	swait.ge [sflag:s4], $0x8000  }
0x2e5: {  	[sflag:s4] =	ssyncset.done $0x0  }
0x2e6: {  	[sflag:s4] =	ssyncadd.s32 $0xFFFF8000  }
0x2e7: {  	v3 =	vld [tilespmem:$0x980];
	_ =	sdelay $0x4  }
0x2e8: {  	v61 =	vshll.u32 v3, $0x4  }
0x2e9: {  	v3 =	vand.u32 $0x7, v3;
	v4 =	vand.u32 $0xFFFFFF80, v61  }
0x2ea: {  	v3 =	vor.u32 v3, v4  }
0x2eb: {  	v4 =	vperm.xlane v3, v0;
	_ =	sdelay $0x1  }
0x2ec: {  	v4 =	vadd.s32 v1, v4;
	_ =	sdelay $0x3  }
0x2ed: {  	s2 =	simm.s32 $0xC00  }
0x2ee: {  	[tilespmem:s2], [sflag:$0x1] =	stream.indirect_vreg.gather [hbm4b:s0+s5], $0x80, v4, vm0, $0xb8;
	[tilespmem:$0x18C00] =	vst v63  }
0x2ef: {  	s6 =	simm.s32 $0x1400  }
0x2f0: {  	[tilespmem:s6], [sflag:$0x1] =	stream.indirect_vreg.gather [hbm4b:s21+s5], $0x80, v4, vm0, $0xb8;
	[tilespmem:$0x18C00] =	vst v63  }
0x2f1: {  	s3 =	simm.s32 $0x1C00  }
0x2f2: {  	[tilespmem:s3], [sflag:$0x1] =	stream.indirect_vreg.gather [hbm4b:s22+s5], $0x80, v4, vm0, $0xb8;
	[tilespmem:$0x18C00] =	vst v63  }
0x2f3: {  	s6 =	simm.s32 $0x2400  }
0x2f4: {  	[tilespmem:s6], [sflag:$0x1] =	stream.indirect_vreg.gather [hbm4b:s23+s5], $0x80, v4, vm0, $0xb8;
	[tilespmem:$0x18C00] =	vst v63  }
0x2f5: {  	s6 =	simm.s32 $0x2C00  }
0x2f6: {  	[tilespmem:s6], [sflag:$0x1] =	stream.indirect_vreg.gather [hbm4b:s24+s5], $0x80, v4, vm0, $0xb8;
	[tilespmem:$0x18C00] =	vst v63  }
0x2f7: {  	v3 =	vperm.xlane v3, v2;
	s3 =	simm.s32 $0x3400  }
0x2f8: {  	[tilespmem:s3], [sflag:$0x1] =	stream.indirect_vreg.gather [hbm4b:s26+s5], $0x80, v4, vm0, $0xb8;
	[tilespmem:$0x18C00] =	vst v63  }
0x2f9: {  	s1 =	simm.s32 $0x3C00;
	v3 =	vadd.s32 v1, v3  }
0x2fa: {  	[tilespmem:s1], [sflag:$0x1] =	stream.indirect_vreg.gather [hbm4b:s28+s5], $0x80, v4, vm0, $0xb8;
	[tilespmem:$0x18C00] =	vst v63  }
0x2fb: {  	s1 =	simm.s32 $0x4400  }
0x2fc: {  	[tilespmem:s1], [sflag:$0x1] =	stream.indirect_vreg.gather [hbm4b:s29+s5], $0x80, v4, vm0, $0xb8;
	[tilespmem:$0x18C00] =	vst v63  }
0x2fd: {  	s1 =	simm.s32 $0x4C00  }
0x2fe: {  	[tilespmem:s1], [sflag:$0x1] =	stream.indirect_vreg.gather [hbm4b:s0+s5], $0x80, v3, vm0, $0xb8;
	[tilespmem:$0x18C00] =	vst v63  }
0x2ff: {  	s1 =	simm.s32 $0x5400  }
0x300: {  	[tilespmem:s1], [sflag:$0x1] =	stream.indirect_vreg.gather [hbm4b:s21+s5], $0x80, v3, vm0, $0xb8;
	[tilespmem:$0x18C00] =	vst v63  }
0x301: {  	s1 =	simm.s32 $0x5C00  }
0x302: {  	[tilespmem:s1], [sflag:$0x1] =	stream.indirect_vreg.gather [hbm4b:s22+s5], $0x80, v3, vm0, $0xb8;
	[tilespmem:$0x18C00] =	vst v63  }
0x303: {  	s21 =	simm.s32 $0x6400  }
0x304: {  	[tilespmem:s21], [sflag:$0x1] =	stream.indirect_vreg.gather [hbm4b:s23+s5], $0x80, v3, vm0, $0xb8;
	[tilespmem:$0x18C00] =	vst v63  }
0x305: {  	s22 =	simm.s32 $0x6C00  }
0x306: {  	[tilespmem:s22], [sflag:$0x1] =	stream.indirect_vreg.gather [hbm4b:s24+s5], $0x80, v3, vm0, $0xb8;
	[tilespmem:$0x18C00] =	vst v63  }
0x307: {  	s23 =	simm.s32 $0x7400  }
0x308: {  	[tilespmem:s23], [sflag:$0x1] =	stream.indirect_vreg.gather [hbm4b:s26+s5], $0x80, v3, vm0, $0xb8;
	[tilespmem:$0x18C00] =	vst v63  }
0x309: {  	s24 =	simm.s32 $0x7C00  }
0x30a: {  	[tilespmem:s24], [sflag:$0x1] =	stream.indirect_vreg.gather [hbm4b:s28+s5], $0x80, v3, vm0, $0xb8;
	[tilespmem:$0x18C00] =	vst v63  }
0x30b: {  	s26 =	simm.s32 $0x8400  }
0x30c: {  	[tilespmem:s26], [sflag:$0x1] =	stream.indirect_vreg.gather [hbm4b:s29+s5], $0x80, v3, vm0, $0xb8;
	[tilespmem:$0x18C00] =	vst v63  }
0x30d: {  	s29 =	simm.s32 $0x3  }
0x30e: {  	s0 =	rddreg [dreg:$0xc];
	_ =	swait.ge [sflag:s29], $0x8000  }
0x30f: {  	[sflag:s29] =	ssyncset.done $0x0  }
0x310: {  	[sflag:s29] =	ssyncadd.s32 $0xFFFF8000  }
0x311: {  	v3 =	vld [tilespmem:$0xB00];
	_ =	sdelay $0x4  }
0x312: {  	v62 =	vshll.u32 v3, $0x4  }
0x313: {  	v3 =	vand.u32 $0x7, v3;
	v4 =	vand.u32 $0xFFFFFF80, v62  }
0x314: {  	v3 =	vor.u32 v3, v4  }
0x315: {  	v4 =	vperm.xlane v3, v0;
	_ =	sdelay $0x1  }
0x316: {  	v4 =	vadd.s32 v1, v4;
	_ =	sdelay $0x3  }
0x317: {  	s29 =	simm.s32 $0x10C00  }
0x318: {  	[hbm4b:s7+s5] =	stream.indirect_vreg.scatter [tilespmem:s29], [sflag:$0x6], $0x80, v4, vm0, $0xb8;
	[tilespmem:$0x18C00] =	vst v63  }
0x319: {  	s29 =	simm.s32 $0x11400  }
0x31a: {  	[hbm4b:s14+s5] =	stream.indirect_vreg.scatter [tilespmem:s29], [sflag:$0x6], $0x80, v4, vm0, $0xb8;
	[tilespmem:$0x18C00] =	vst v63  }
0x31b: {  	s29 =	simm.s32 $0x11C00  }
0x31c: {  	[hbm4b:s15+s5] =	stream.indirect_vreg.scatter [tilespmem:s29], [sflag:$0x6], $0x80, v4, vm0, $0xb8;
	[tilespmem:$0x18C00] =	vst v63  }
0x31d: {  	s29 =	simm.s32 $0x12400  }
0x31e: {  	[hbm4b:s16+s5] =	stream.indirect_vreg.scatter [tilespmem:s29], [sflag:$0x6], $0x80, v4, vm0, $0xb8;
	[tilespmem:$0x18C00] =	vst v63  }
0x31f: {  	s29 =	simm.s32 $0x12C00  }
0x320: {  	[hbm4b:s17+s5] =	stream.indirect_vreg.scatter [tilespmem:s29], [sflag:$0x6], $0x80, v4, vm0, $0xb8;
	[tilespmem:$0x18C00] =	vst v63  }
0x321: {  	v3 =	vperm.xlane v3, v2;
	s29 =	simm.s32 $0x13400  }
0x322: {  	[hbm4b:s18+s5] =	stream.indirect_vreg.scatter [tilespmem:s29], [sflag:$0x6], $0x80, v4, vm0, $0xb8;
	[tilespmem:$0x18C00] =	vst v63  }
0x323: {  	v3 =	vadd.s32 v1, v3;
	s29 =	simm.s32 $0x13C00  }
0x324: {  	[hbm4b:s19+s5] =	stream.indirect_vreg.scatter [tilespmem:s29], [sflag:$0x6], $0x80, v4, vm0, $0xb8;
	[tilespmem:$0x18C00] =	vst v63  }
0x325: {  	_ = 	snop  }
0x326: {  	[hbm4b:s20+s5] =	stream.indirect_vreg.scatter [tilespmem:s31], [sflag:$0x6], $0x80, v4, vm0, $0xb8;
	[tilespmem:$0x18C00] =	vst v63  }
0x327: {  	s31 =	simm.s32 $0x14C00  }
0x328: {  	[hbm4b:s7+s5] =	stream.indirect_vreg.scatter [tilespmem:s31], [sflag:$0x6], $0x80, v3, vm0, $0xb8;
	[tilespmem:$0x18C00] =	vst v63  }
0x329: {  	s29 =	simm.s32 $0x15400  }
0x32a: {  	[hbm4b:s14+s5] =	stream.indirect_vreg.scatter [tilespmem:s29], [sflag:$0x6], $0x80, v3, vm0, $0xb8;
	[tilespmem:$0x18C00] =	vst v63  }
0x32b: {  	s31 =	simm.s32 $0x15C00  }
0x32c: {  	[hbm4b:s15+s5] =	stream.indirect_vreg.scatter [tilespmem:s31], [sflag:$0x6], $0x80, v3, vm0, $0xb8;
	[tilespmem:$0x18C00] =	vst v63  }
0x32d: {  	s29 =	simm.s32 $0x16400  }
0x32e: {  	[hbm4b:s16+s5] =	stream.indirect_vreg.scatter [tilespmem:s29], [sflag:$0x6], $0x80, v3, vm0, $0xb8;
	[tilespmem:$0x18C00] =	vst v63  }
0x32f: {  	s31 =	simm.s32 $0x16C00  }
0x330: {  	[hbm4b:s17+s5] =	stream.indirect_vreg.scatter [tilespmem:s31], [sflag:$0x6], $0x80, v3, vm0, $0xb8;
	[tilespmem:$0x18C00] =	vst v63  }
0x331: {  	s29 =	simm.s32 $0x17400  }
0x332: {  	[hbm4b:s18+s5] =	stream.indirect_vreg.scatter [tilespmem:s29], [sflag:$0x6], $0x80, v3, vm0, $0xb8;
	[tilespmem:$0x18C00] =	vst v63  }
0x333: {  	s31 =	simm.s32 $0x17C00  }
0x334: {  	[hbm4b:s19+s5] =	stream.indirect_vreg.scatter [tilespmem:s31], [sflag:$0x6], $0x80, v3, vm0, $0xb8;
	[tilespmem:$0x18C00] =	vst v63  }
0x335: {  	s29 =	simm.s32 $0x18400;
	s31 =	simm.s32 $0x1  }
0x336: {  	[hbm4b:s20+s5] =	stream.indirect_vreg.scatter [tilespmem:s29], [sflag:$0x6], $0x80, v3, vm0, $0xb8;
	[tilespmem:$0x18C00] =	vst v63  }
0x337: {  	_ =	swait.ge [sflag:s31], $0x8000  }
0x338: {  	[sflag:s31] =	ssyncset.done $0x0  }
0x339: {  	[sflag:s31] =	ssyncadd.s32 $0xFFFF8000  }
0x33a: {  	v3 =	vld [tilespmem:$0xB80];
	_ =	sdelay $0x4  }
0x33b: {  	v63 =	vshll.u32 v3, $0x4  }
0x33c: {  	v3 =	vand.u32 $0x7, v3;
	v4 =	vand.u32 $0xFFFFFF80, v63  }
0x33d: {  	v3 =	vor.u32 v3, v4  }
0x33e: {  	v4 =	vperm.xlane v3, v0;
	_ =	sdelay $0x1  }
0x33f: {  	v4 =	vadd.s32 v1, v4;
	_ =	sdelay $0x4  }
0x340: {  	[hbm4b:s7+s5] =	stream.indirect_vreg.scatter [tilespmem:s2], [sflag:$0x4], $0x80, v4, vm0, $0xb8;
	[tilespmem:$0x18C00] =	vst v63  }
0x341: {  	s28 =	simm.s32 $0x1400  }
0x342: {  	[hbm4b:s14+s5] =	stream.indirect_vreg.scatter [tilespmem:s28], [sflag:$0x4], $0x80, v4, vm0, $0xb8;
	[tilespmem:$0x18C00] =	vst v63  }
0x343: {  	s29 =	simm.s32 $0x1C00  }
0x344: {  	[hbm4b:s15+s5] =	stream.indirect_vreg.scatter [tilespmem:s29], [sflag:$0x4], $0x80, v4, vm0, $0xb8;
	[tilespmem:$0x18C00] =	vst v63  }
0x345: {  	s31 =	simm.s32 $0x2400  }
0x346: {  	[hbm4b:s16+s5] =	stream.indirect_vreg.scatter [tilespmem:s31], [sflag:$0x4], $0x80, v4, vm0, $0xb8;
	[tilespmem:$0x18C00] =	vst v63  }
0x347: {  	_ = 	snop  }
0x348: {  	[hbm4b:s17+s5] =	stream.indirect_vreg.scatter [tilespmem:s6], [sflag:$0x4], $0x80, v4, vm0, $0xb8;
	[tilespmem:$0x18C00] =	vst v63  }
0x349: {  	v3 =	vperm.xlane v3, v2  }
0x34a: {  	[hbm4b:s18+s5] =	stream.indirect_vreg.scatter [tilespmem:s3], [sflag:$0x4], $0x80, v4, vm0, $0xb8;
	[tilespmem:$0x18C00] =	vst v63  }
0x34b: {  	v3 =	vadd.s32 v1, v3;
	s3 =	simm.s32 $0x3C00  }
0x34c: {  	[hbm4b:s19+s5] =	stream.indirect_vreg.scatter [tilespmem:s3], [sflag:$0x4], $0x80, v4, vm0, $0xb8;
	[tilespmem:$0x18C00] =	vst v63  }
0x34d: {  	s6 =	simm.s32 $0x4400  }
0x34e: {  	[hbm4b:s20+s5] =	stream.indirect_vreg.scatter [tilespmem:s6], [sflag:$0x4], $0x80, v4, vm0, $0xb8;
	[tilespmem:$0x18C00] =	vst v63  }
0x34f: {  	s28 =	simm.s32 $0x4C00  }
0x350: {  	[hbm4b:s7+s5] =	stream.indirect_vreg.scatter [tilespmem:s28], [sflag:$0x4], $0x80, v3, vm0, $0xb8;
	[tilespmem:$0x18C00] =	vst v63  }
0x351: {  	s29 =	simm.s32 $0x5400  }
0x352: {  	[hbm4b:s14+s5] =	stream.indirect_vreg.scatter [tilespmem:s29], [sflag:$0x4], $0x80, v3, vm0, $0xb8;
	[tilespmem:$0x18C00] =	vst v63  }
0x353: {  	_ = 	snop  }
0x354: {  	[hbm4b:s15+s5] =	stream.indirect_vreg.scatter [tilespmem:s1], [sflag:$0x4], $0x80, v3, vm0, $0xb8;
	[tilespmem:$0x18C00] =	vst v63  }
0x355: {  	_ = 	snop  }
0x356: {  	[hbm4b:s16+s5] =	stream.indirect_vreg.scatter [tilespmem:s21], [sflag:$0x4], $0x80, v3, vm0, $0xb8;
	[tilespmem:$0x18C00] =	vst v63  }
0x357: {  	_ = 	snop  }
0x358: {  	[hbm4b:s17+s5] =	stream.indirect_vreg.scatter [tilespmem:s22], [sflag:$0x4], $0x80, v3, vm0, $0xb8;
	[tilespmem:$0x18C00] =	vst v63  }
0x359: {  	_ = 	snop  }
0x35a: {  	[hbm4b:s18+s5] =	stream.indirect_vreg.scatter [tilespmem:s23], [sflag:$0x4], $0x80, v3, vm0, $0xb8;
	[tilespmem:$0x18C00] =	vst v63  }
0x35b: {  	_ = 	snop  }
0x35c: {  	[hbm4b:s19+s5] =	stream.indirect_vreg.scatter [tilespmem:s24], [sflag:$0x4], $0x80, v3, vm0, $0xb8;
	[tilespmem:$0x18C00] =	vst v63  }
0x35d: {  	s31 =	simm.s32 $0x5  }
0x35e: {  	[hbm4b:s20+s5] =	stream.indirect_vreg.scatter [tilespmem:s26], [sflag:$0x4], $0x80, v3, vm0, $0xb8;
	[tilespmem:$0x18C00] =	vst v63  }
0x35f: {  	_ =	swait.ge [sflag:s31], $0x8000  }
0x360: {  	[sflag:s31] =	ssyncset.done $0x0  }
0x361: {  	[sflag:s31] =	ssyncadd.s32 $0xFFFF8000  }
0x362: {  	p0 =	sne.s32 s0, $0x1;
	_ =	swait.ge [sflag:s30], $0x8000  }
.Ltmp0:
0x363: {  	[sflag:s30] =	ssyncset.done $0x0;
	(pc) =	sbr.rel @p0 .LBB2_1-.Ltmp0, $4  }
0x364: {  	s4 =	simm.s32 $0x4;
	[sflag:s30] =	ssyncadd.s32 $0xFFFF8000  }
0x365: {  	_ =	swait.ge [sflag:s4], $0x8000  }
0x366: {  	[sflag:s4] =	ssyncset.done $0x0  }
0x367: {  	s0 =	sadd.s32 $0xFFFFFFFF, s0;
	[sflag:s4] =	ssyncadd.s32 $0xFFFF8000  }
0x368: {  	_ =	sfence.sel $0x180000  }
0x369: {  	[bflag:$0x0] =	sbarrier.arrive $0xFFFF  }
0x36a: {  	_ =	strace $0x90000047  }
0x36b: {  	s0 =	stileid.u32;
	[bflag:$0x2] =	sbarrier.arrive $0xFFFF  }
0x36c: {  	p0 =	sne.s32 s0, $0x0;
	s0 =	rddreg [dreg:$0x4]  }
0x36d: {  	s0 =	sadd.s32 @!p0 $0x100000, s0  }
0x36e: {  	[sflag:s0] =	ssyncadd.tile.s32 @!p0 $0x1;
	_ =	shalt  }
.Lfunc_end2:
_tile_overlayer_lowered:
.L_overlay_start_2:
0x36f: {  	(tag) =	ssettag $0x2  }
0x370: {  	s0 =	rddreg [dreg:$0x0];
	s2 =	stileid.u32  }
0x371: {  	s1 =	rddreg [dreg:$0x1];
	p0 =	sne.s32 s2, $0x0  }
0x372: {  	s3 =	rddreg [dreg:$0x2];
	[bflag:$0x3] =	sbarrier.arrive $0xFFFF;
	s2 =	simm.s32 @!p0 $0x1C08  }
0x373: {  	[timem:s3], [sflag:s2] =	dma.local @!p0 [hbm:s0], s1  }
0x374: {  	s0 =	simm.s32 @!p0 $0x8  }
0x375: {  	_ =	swait.ge @!p0 [sflag:s0], s1  }
0x376: {  	s1 =	ssub.s32 @!p0 $0x0, s1;
	[sflag:s0] =	ssyncset.done @!p0 $0x0  }
0x377: {  	[sflag:s0] =	ssyncadd.s32 @!p0 s1  }
0x378: {  	[bflag:$0x3] =	sbarrier.arrive $0xFFFF  }
0x379: {  	_ =	shalt  }

</sc_bundles>
